<compile_context>
chip_gen: v7x
topology: tpu7x:2x2x1
jax: 0.10.2.dev20260603
libtpu: 0.0.44.dev20260713+nightly
codegen_flags: <defaults>
</compile_context>

<pallas_src>
import functools

import jax
import jax.numpy as jnp
from jax import lax
from jax.experimental import pallas as pl
from jax.experimental.pallas import tpu as pltpu
from jax.experimental.pallas import tpu_sc as plsc

_NC = 2
_NS = 16
_NW = _NC * _NS
_CHUNK = 128
_NBUF = 4


@functools.partial(jax.jit, static_argnums=(2, 3))
def _sc_gather(weight, idx3, n_chunks, d):
    per_w = n_chunks * _CHUNK
    mesh = plsc.VectorSubcoreMesh(core_axis_name="c", subcore_axis_name="s")

    @functools.partial(
        pl.kernel,
        mesh=mesh,
        out_type=jax.ShapeDtypeStruct((_NW * per_w, d), jnp.float32),
        scratch_types=[
            pltpu.VMEM((n_chunks, _CHUNK), jnp.int32),
            pltpu.VMEM((_NBUF, _CHUNK, d), jnp.float32),
            pltpu.SemaphoreType.DMA((_NBUF,)),
            pltpu.SemaphoreType.DMA((_NBUF,)),
        ],
    )
    def body(table_hbm, idx_hbm, out_hbm, idx_v, rows_v, gsem, osem):
        wid = lax.axis_index("s") * _NC + lax.axis_index("c")
        base = wid * per_w
        pltpu.sync_copy(idx_hbm.at[wid], idx_v)

        def start_gather(j, b):
            pltpu.make_async_copy(
                table_hbm.at[idx_v.at[j]], rows_v.at[b], gsem.at[b]
            ).start()

        def wait_gather(b):
            pltpu.make_async_copy(
                table_hbm.at[idx_v.at[0]], rows_v.at[b], gsem.at[b]
            ).wait()

        def start_write(j, b):
            pltpu.make_async_copy(
                rows_v.at[b], out_hbm.at[pl.ds(base + j * _CHUNK, _CHUNK)],
                osem.at[b],
            ).start()

        def wait_write(b):
            pltpu.make_async_copy(
                rows_v.at[b], out_hbm.at[pl.ds(base, _CHUNK)], osem.at[b]
            ).wait()

        n_steps = n_chunks // _NBUF

        for b in range(_NBUF):
            start_gather(jnp.int32(b), b)

        def step(g, carry):
            for b in range(_NBUF):
                j = g * _NBUF + b
                wait_gather(b)
                start_write(j, b)
            for b in range(_NBUF):
                @pl.when(g + 1 < n_steps)
                def _():
                    wait_write(b)
                    start_gather((g + 1) * _NBUF + b, b)
            return carry

        lax.fori_loop(0, n_steps, step, jnp.int32(0))

        for b in range(_NBUF):
            wait_write(b)

    return body(weight, idx3)


def kernel(input_, weight):
    batch, hist = input_.shape
    n_emb, d = weight.shape
    total = batch * hist
    per_w = total // _NW
    n_chunks = per_w // _CHUNK
    idx3 = input_.reshape(_NW, n_chunks, _CHUNK)
    out = _sc_gather(weight, idx3, n_chunks, d)
    return out.reshape(batch, hist, d)

# --- scband reference (transcript-rebuilt; emitter-appended) ---
"""Pipeline reference for scband-vocab-parallel-embedding-29970281791735 (READ-ONLY COPY).

The authoritative reference and input builder live on the scoring server;
editing this copy changes nothing except your own understanding.
"""

import jax, jax.numpy as jnp
import numpy as np

NUM_EMBEDDINGS = 100000
EMBEDDING_DIM = 128
BATCH = 4096
HIST = 200

def setup_inputs(seed: int = 0) -> dict:
    key = jax.random.key(seed)
    k1, k2 = jax.random.split(key)
    input_ = jax.random.randint(k1, (BATCH, HIST), 0, NUM_EMBEDDINGS, dtype=jnp.int32)
    # xavier_normal-like init for the embedding table
    std = float(np.sqrt(2.0 / (NUM_EMBEDDINGS + EMBEDDING_DIM)))
    weight = jax.random.normal(k2, (NUM_EMBEDDINGS, EMBEDDING_DIM), dtype=jnp.float32) * std
    return {"input_": input_, "weight": weight}

def reference(input_, weight):
    # model_parallel_size == 1 path: plain embedding lookup,
    # reduce_from_model_parallel_region is identity on a single partition.
    output = jnp.take(weight, input_, axis=0)
    return output

if __name__ == "__main__":
    import jax
    _d = setup_inputs()
    print(jax.jit(kernel)(*tuple(_d.values())))

</pallas_src>

<mosaic_0001>
#map = affine_map<(d0, d1) -> (0, 0)>
#map1 = affine_map<(d0, d1) -> (0, 0, 0)>
module attributes {stable_mosaic.version = 14 : i64} {
  func.func @body(%arg0: i32, %arg1: i32, %arg2: memref<100000x128xf32, #tpu.memory_space<hbm>>, %arg3: memref<32x200x128xi32, #tpu.memory_space<hbm>>, %arg4: memref<819200x128xf32, #tpu.memory_space<hbm>>, %arg5: memref<200x128xi32, #tpu.memory_space<vmem>>, %arg6: memref<4x128x128xf32, #tpu.memory_space<vmem>>, %arg7: memref<4x!tpu.dma_semaphore, #tpu.memory_space<semaphore_mem>>, %arg8: memref<4x!tpu.dma_semaphore, #tpu.memory_space<semaphore_mem>>) attributes {dimension_semantics = [#tpu.dimension_semantics<core_parallel>, #tpu.dimension_semantics<subcore_parallel>], iteration_bounds = array<i64: 2, 16>, scalar_prefetch = 0 : i64, scratch_operands = 4 : i64, tpu.core_type = #tpu.core_type<sc_vector_subcore>, window_params = [{transform_indices = #map}, {transform_indices = #map1}, {transform_indices = #map}]} {
    %mul3A = arith.constant 2 : i32
    %mul3A_0 = arith.muli %arg1, %mul3A : i32
    %add3A = arith.addi %mul3A_0, %arg0 : i32
    %mul3A_1 = arith.constant 25600 : i32
    %mul3A_2 = arith.muli %add3A, %mul3A_1 : i32
    "tpu.region"() ({
      %run_scoped3A = tpu.sem_alloc : memref<!tpu.dma_semaphore, #tpu.memory_space<semaphore_mem>>
      %dma_start3A_130 = arith.constant 0 : i32
      %dma_start3A_131 = arith.constant 0 : i32
      %dma_start3A_132 = tpu.memref_slice %arg3[%add3A, %dma_start3A_130, %dma_start3A_131] : memref<32x200x128xi32, #tpu.memory_space<hbm>> -> memref<1x200x128xi32, #tpu.memory_space<hbm>>
      %dma_start3A_133 = tpu.memref_squeeze %dma_start3A_132 : memref<1x200x128xi32, #tpu.memory_space<hbm>> -> memref<200x128xi32, #tpu.memory_space<hbm>>
      %dma_start3A_134 = arith.constant 0 : i32
      %dma_start3A_135 = arith.constant 0 : i32
      %dma_start3A_136 = tpu.memref_slice %arg3[%add3A, %dma_start3A_134, %dma_start3A_135] : memref<32x200x128xi32, #tpu.memory_space<hbm>> -> memref<1x200x128xi32, #tpu.memory_space<hbm>>
      %dma_start3A_137 = tpu.memref_squeeze %dma_start3A_136 : memref<1x200x128xi32, #tpu.memory_space<hbm>> -> memref<200x128xi32, #tpu.memory_space<hbm>>
      tpu.enqueue_dma source(%dma_start3A_137 : memref<200x128xi32, #tpu.memory_space<hbm>>) target(%arg5 : memref<200x128xi32, #tpu.memory_space<vmem>>) target_semaphore(%run_scoped3A : memref<!tpu.dma_semaphore, #tpu.memory_space<semaphore_mem>>)
      %dma_wait3A_138 = arith.constant 0 : i32
      %dma_wait3A_139 = arith.constant 0 : i32
      %dma_wait3A_140 = tpu.memref_slice %arg3[%add3A, %dma_wait3A_138, %dma_wait3A_139] : memref<32x200x128xi32, #tpu.memory_space<hbm>> -> memref<1x200x128xi32, #tpu.memory_space<hbm>>
      %dma_wait3A_141 = tpu.memref_squeeze %dma_wait3A_140 : memref<1x200x128xi32, #tpu.memory_space<hbm>> -> memref<200x128xi32, #tpu.memory_space<hbm>>
      %dma_wait3A_142 = arith.constant 0 : i32
      %dma_wait3A_143 = arith.constant 0 : i32
      %dma_wait3A_144 = tpu.memref_slice %arg3[%add3A, %dma_wait3A_142, %dma_wait3A_143] : memref<32x200x128xi32, #tpu.memory_space<hbm>> -> memref<1x200x128xi32, #tpu.memory_space<hbm>>
      %dma_wait3A_145 = tpu.memref_squeeze %dma_wait3A_144 : memref<1x200x128xi32, #tpu.memory_space<hbm>> -> memref<200x128xi32, #tpu.memory_space<hbm>>
      tpu.wait_dma2 semaphore(%run_scoped3A : memref<!tpu.dma_semaphore, #tpu.memory_space<semaphore_mem>>) src(%dma_wait3A_145 : memref<200x128xi32, #tpu.memory_space<hbm>>) dst(%arg5 : memref<200x128xi32, #tpu.memory_space<vmem>>)
      tpu.yield
    }) : () -> ()
    %dma_start3A = arith.constant 0 : i32
    %dma_start3A_3 = arith.constant 0 : i32
    %dma_start3A_4 = arith.constant 0 : i32
    %dma_start3A_5 = arith.constant 0 : i32
    %dma_start3A_6 = arith.constant 0 : i32
    %dma_start3A_7 = tpu.memref_slice %arg6[%dma_start3A_3, %dma_start3A_5, %dma_start3A_6] : memref<4x128x128xf32, #tpu.memory_space<vmem>> -> memref<1x128x128xf32, #tpu.memory_space<vmem>>
    %dma_start3A_8 = tpu.memref_squeeze %dma_start3A_7 : memref<1x128x128xf32, #tpu.memory_space<vmem>> -> memref<128x128xf32, #tpu.memory_space<vmem>>
    %dma_start3A_9 = arith.constant 0 : i32
    %dma_start3A_10 = tpu.memref_slice %arg5[%dma_start3A, %dma_start3A_9] : memref<200x128xi32, #tpu.memory_space<vmem>> -> memref<1x128xi32, #tpu.memory_space<vmem>>
    %dma_start3A_11 = tpu.memref_squeeze %dma_start3A_10 : memref<1x128xi32, #tpu.memory_space<vmem>> -> memref<128xi32, #tpu.memory_space<vmem>>
    %dma_start3A_12 = arith.constant 0 : i32
    %dma_start3A_13 = arith.constant 0 : i32
    %dma_start3A_14 = tpu.memref_slice %arg2[%dma_start3A_12, %dma_start3A_13] : memref<100000x128xf32, #tpu.memory_space<hbm>> -> memref<100000x128xf32, #tpu.memory_space<hbm>>
    %dma_start3A_15 = tpu.memref_slice %arg7[%dma_start3A_4] : memref<4x!tpu.dma_semaphore, #tpu.memory_space<semaphore_mem>> -> memref<1x!tpu.dma_semaphore, #tpu.memory_space<semaphore_mem>>
    %dma_start3A_16 = tpu.memref_squeeze %dma_start3A_15 : memref<1x!tpu.dma_semaphore, #tpu.memory_space<semaphore_mem>> -> memref<!tpu.dma_semaphore, #tpu.memory_space<semaphore_mem>>
    tpu.enqueue_indirect_dma source(%dma_start3A_14 : memref<100000x128xf32, #tpu.memory_space<hbm>>) target(%dma_start3A_8 : memref<128x128xf32, #tpu.memory_space<vmem>>) offsets(%dma_start3A_11 : memref<128xi32, #tpu.memory_space<vmem>>) semaphore(%dma_start3A_16 : memref<!tpu.dma_semaphore, #tpu.memory_space<semaphore_mem>>)
    %dma_start3A_17 = arith.constant 1 : i32
    %dma_start3A_18 = arith.constant 1 : i32
    %dma_start3A_19 = arith.constant 1 : i32
    %dma_start3A_20 = arith.constant 0 : i32
    %dma_start3A_21 = arith.constant 0 : i32
    %dma_start3A_22 = tpu.memref_slice %arg6[%dma_start3A_18, %dma_start3A_20, %dma_start3A_21] : memref<4x128x128xf32, #tpu.memory_space<vmem>> -> memref<1x128x128xf32, #tpu.memory_space<vmem>>
    %dma_start3A_23 = tpu.memref_squeeze %dma_start3A_22 : memref<1x128x128xf32, #tpu.memory_space<vmem>> -> memref<128x128xf32, #tpu.memory_space<vmem>>
    %dma_start3A_24 = arith.constant 0 : i32
    %dma_start3A_25 = tpu.memref_slice %arg5[%dma_start3A_17, %dma_start3A_24] : memref<200x128xi32, #tpu.memory_space<vmem>> -> memref<1x128xi32, #tpu.memory_space<vmem>>
    %dma_start3A_26 = tpu.memref_squeeze %dma_start3A_25 : memref<1x128xi32, #tpu.memory_space<vmem>> -> memref<128xi32, #tpu.memory_space<vmem>>
    %dma_start3A_27 = arith.constant 0 : i32
    %dma_start3A_28 = arith.constant 0 : i32
    %dma_start3A_29 = tpu.memref_slice %arg2[%dma_start3A_27, %dma_start3A_28] : memref<100000x128xf32, #tpu.memory_space<hbm>> -> memref<100000x128xf32, #tpu.memory_space<hbm>>
    %dma_start3A_30 = tpu.memref_slice %arg7[%dma_start3A_19] : memref<4x!tpu.dma_semaphore, #tpu.memory_space<semaphore_mem>> -> memref<1x!tpu.dma_semaphore, #tpu.memory_space<semaphore_mem>>
    %dma_start3A_31 = tpu.memref_squeeze %dma_start3A_30 : memref<1x!tpu.dma_semaphore, #tpu.memory_space<semaphore_mem>> -> memref<!tpu.dma_semaphore, #tpu.memory_space<semaphore_mem>>
    tpu.enqueue_indirect_dma source(%dma_start3A_29 : memref<100000x128xf32, #tpu.memory_space<hbm>>) target(%dma_start3A_23 : memref<128x128xf32, #tpu.memory_space<vmem>>) offsets(%dma_start3A_26 : memref<128xi32, #tpu.memory_space<vmem>>) semaphore(%dma_start3A_31 : memref<!tpu.dma_semaphore, #tpu.memory_space<semaphore_mem>>)
    %dma_start3A_32 = arith.constant 2 : i32
    %dma_start3A_33 = arith.constant 2 : i32
    %dma_start3A_34 = arith.constant 2 : i32
    %dma_start3A_35 = arith.constant 0 : i32
    %dma_start3A_36 = arith.constant 0 : i32
    %dma_start3A_37 = tpu.memref_slice %arg6[%dma_start3A_33, %dma_start3A_35, %dma_start3A_36] : memref<4x128x128xf32, #tpu.memory_space<vmem>> -> memref<1x128x128xf32, #tpu.memory_space<vmem>>
    %dma_start3A_38 = tpu.memref_squeeze %dma_start3A_37 : memref<1x128x128xf32, #tpu.memory_space<vmem>> -> memref<128x128xf32, #tpu.memory_space<vmem>>
    %dma_start3A_39 = arith.constant 0 : i32
    %dma_start3A_40 = tpu.memref_slice %arg5[%dma_start3A_32, %dma_start3A_39] : memref<200x128xi32, #tpu.memory_space<vmem>> -> memref<1x128xi32, #tpu.memory_space<vmem>>
    %dma_start3A_41 = tpu.memref_squeeze %dma_start3A_40 : memref<1x128xi32, #tpu.memory_space<vmem>> -> memref<128xi32, #tpu.memory_space<vmem>>
    %dma_start3A_42 = arith.constant 0 : i32
    %dma_start3A_43 = arith.constant 0 : i32
    %dma_start3A_44 = tpu.memref_slice %arg2[%dma_start3A_42, %dma_start3A_43] : memref<100000x128xf32, #tpu.memory_space<hbm>> -> memref<100000x128xf32, #tpu.memory_space<hbm>>
    %dma_start3A_45 = tpu.memref_slice %arg7[%dma_start3A_34] : memref<4x!tpu.dma_semaphore, #tpu.memory_space<semaphore_mem>> -> memref<1x!tpu.dma_semaphore, #tpu.memory_space<semaphore_mem>>
    %dma_start3A_46 = tpu.memref_squeeze %dma_start3A_45 : memref<1x!tpu.dma_semaphore, #tpu.memory_space<semaphore_mem>> -> memref<!tpu.dma_semaphore, #tpu.memory_space<semaphore_mem>>
    tpu.enqueue_indirect_dma source(%dma_start3A_44 : memref<100000x128xf32, #tpu.memory_space<hbm>>) target(%dma_start3A_38 : memref<128x128xf32, #tpu.memory_space<vmem>>) offsets(%dma_start3A_41 : memref<128xi32, #tpu.memory_space<vmem>>) semaphore(%dma_start3A_46 : memref<!tpu.dma_semaphore, #tpu.memory_space<semaphore_mem>>)
    %dma_start3A_47 = arith.constant 3 : i32
    %dma_start3A_48 = arith.constant 3 : i32
    %dma_start3A_49 = arith.constant 3 : i32
    %dma_start3A_50 = arith.constant 0 : i32
    %dma_start3A_51 = arith.constant 0 : i32
    %dma_start3A_52 = tpu.memref_slice %arg6[%dma_start3A_48, %dma_start3A_50, %dma_start3A_51] : memref<4x128x128xf32, #tpu.memory_space<vmem>> -> memref<1x128x128xf32, #tpu.memory_space<vmem>>
    %dma_start3A_53 = tpu.memref_squeeze %dma_start3A_52 : memref<1x128x128xf32, #tpu.memory_space<vmem>> -> memref<128x128xf32, #tpu.memory_space<vmem>>
    %dma_start3A_54 = arith.constant 0 : i32
    %dma_start3A_55 = tpu.memref_slice %arg5[%dma_start3A_47, %dma_start3A_54] : memref<200x128xi32, #tpu.memory_space<vmem>> -> memref<1x128xi32, #tpu.memory_space<vmem>>
    %dma_start3A_56 = tpu.memref_squeeze %dma_start3A_55 : memref<1x128xi32, #tpu.memory_space<vmem>> -> memref<128xi32, #tpu.memory_space<vmem>>
    %dma_start3A_57 = arith.constant 0 : i32
    %dma_start3A_58 = arith.constant 0 : i32
    %dma_start3A_59 = tpu.memref_slice %arg2[%dma_start3A_57, %dma_start3A_58] : memref<100000x128xf32, #tpu.memory_space<hbm>> -> memref<100000x128xf32, #tpu.memory_space<hbm>>
    %dma_start3A_60 = tpu.memref_slice %arg7[%dma_start3A_49] : memref<4x!tpu.dma_semaphore, #tpu.memory_space<semaphore_mem>> -> memref<1x!tpu.dma_semaphore, #tpu.memory_space<semaphore_mem>>
    %dma_start3A_61 = tpu.memref_squeeze %dma_start3A_60 : memref<1x!tpu.dma_semaphore, #tpu.memory_space<semaphore_mem>> -> memref<!tpu.dma_semaphore, #tpu.memory_space<semaphore_mem>>
    tpu.enqueue_indirect_dma source(%dma_start3A_59 : memref<100000x128xf32, #tpu.memory_space<hbm>>) target(%dma_start3A_53 : memref<128x128xf32, #tpu.memory_space<vmem>>) offsets(%dma_start3A_56 : memref<128xi32, #tpu.memory_space<vmem>>) semaphore(%dma_start3A_61 : memref<!tpu.dma_semaphore, #tpu.memory_space<semaphore_mem>>)
    %scan3A = arith.constant 0 : i32
    %scan3A_62 = arith.constant 0 : i32
    %scan3A_63 = arith.constant 50 : i32
    %scan3A_64 = arith.addi %scan3A_62, %scan3A_63 : i32
    %scan3A_65 = arith.constant 1 : i32
    scf.for %scan3A_130 = %scan3A_62 to %scan3A_64 step %scan3A_65  : i32 {
      %mul3A_131 = arith.constant 4 : i32
      %mul3A_132 = arith.muli %scan3A_130, %mul3A_131 : i32
      %add3A_133 = arith.constant 0 : i32
      %add3A_134 = arith.addi %mul3A_132, %add3A_133 : i32
      %dma_wait3A_135 = arith.constant 0 : i32
      %dma_wait3A_136 = arith.constant 0 : i32
      %dma_wait3A_137 = arith.constant 0 : i32
      %dma_wait3A_138 = arith.constant 0 : i32
      %dma_wait3A_139 = arith.constant 0 : i32
      %dma_wait3A_140 = tpu.memref_slice %arg6[%dma_wait3A_136, %dma_wait3A_138, %dma_wait3A_139] : memref<4x128x128xf32, #tpu.memory_space<vmem>> -> memref<1x128x128xf32, #tpu.memory_space<vmem>>
      %dma_wait3A_141 = tpu.memref_squeeze %dma_wait3A_140 : memref<1x128x128xf32, #tpu.memory_space<vmem>> -> memref<128x128xf32, #tpu.memory_space<vmem>>
      %dma_wait3A_142 = arith.constant 0 : i32
      %dma_wait3A_143 = tpu.memref_slice %arg5[%dma_wait3A_135, %dma_wait3A_142] : memref<200x128xi32, #tpu.memory_space<vmem>> -> memref<1x128xi32, #tpu.memory_space<vmem>>
      %dma_wait3A_144 = tpu.memref_squeeze %dma_wait3A_143 : memref<1x128xi32, #tpu.memory_space<vmem>> -> memref<128xi32, #tpu.memory_space<vmem>>
      %dma_wait3A_145 = arith.constant 0 : i32
      %dma_wait3A_146 = arith.constant 0 : i32
      %dma_wait3A_147 = tpu.memref_slice %arg2[%dma_wait3A_145, %dma_wait3A_146] : memref<100000x128xf32, #tpu.memory_space<hbm>> -> memref<100000x128xf32, #tpu.memory_space<hbm>>
      %dma_wait3A_148 = tpu.memref_slice %arg7[%dma_wait3A_137] : memref<4x!tpu.dma_semaphore, #tpu.memory_space<semaphore_mem>> -> memref<1x!tpu.dma_semaphore, #tpu.memory_space<semaphore_mem>>
      %dma_wait3A_149 = tpu.memref_squeeze %dma_wait3A_148 : memref<1x!tpu.dma_semaphore, #tpu.memory_space<semaphore_mem>> -> memref<!tpu.dma_semaphore, #tpu.memory_space<semaphore_mem>>
      tpu.wait_indirect_dma semaphore(%dma_wait3A_149 : memref<!tpu.dma_semaphore, #tpu.memory_space<semaphore_mem>>) src(%dma_wait3A_147 : memref<100000x128xf32, #tpu.memory_space<hbm>>) dst(%dma_wait3A_141 : memref<128x128xf32, #tpu.memory_space<vmem>>)
      %mul3A_150 = arith.constant 128 : i32
      %mul3A_151 = arith.muli %add3A_134, %mul3A_150 : i32
      %add3A_152 = arith.addi %mul3A_2, %mul3A_151 : i32
      %dma_start3A_153 = arith.constant 0 : i32
      %dma_start3A_154 = arith.constant 0 : i32
      %dma_start3A_155 = arith.constant 0 : i32
      %dma_start3A_156 = arith.constant 0 : i32
      %dma_start3A_157 = tpu.memref_slice %arg6[%dma_start3A_153, %dma_start3A_155, %dma_start3A_156] : memref<4x128x128xf32, #tpu.memory_space<vmem>> -> memref<1x128x128xf32, #tpu.memory_space<vmem>>
      %dma_start3A_158 = tpu.memref_squeeze %dma_start3A_157 : memref<1x128x128xf32, #tpu.memory_space<vmem>> -> memref<128x128xf32, #tpu.memory_space<vmem>>
      %dma_start3A_159 = arith.constant 0 : i32
      %dma_start3A_160 = tpu.memref_slice %arg4[%add3A_152, %dma_start3A_159] : memref<819200x128xf32, #tpu.memory_space<hbm>> -> memref<128x128xf32, #tpu.memory_space<hbm>>
      %dma_start3A_161 = tpu.memref_slice %arg8[%dma_start3A_154] : memref<4x!tpu.dma_semaphore, #tpu.memory_space<semaphore_mem>> -> memref<1x!tpu.dma_semaphore, #tpu.memory_space<semaphore_mem>>
      %dma_start3A_162 = tpu.memref_squeeze %dma_start3A_161 : memref<1x!tpu.dma_semaphore, #tpu.memory_space<semaphore_mem>> -> memref<!tpu.dma_semaphore, #tpu.memory_space<semaphore_mem>>
      %dma_start3A_163 = arith.constant 0 : i32
      %dma_start3A_164 = tpu.memref_slice %arg4[%add3A_152, %dma_start3A_163] : memref<819200x128xf32, #tpu.memory_space<hbm>> -> memref<128x128xf32, #tpu.memory_space<hbm>>
      %dma_start3A_165 = arith.constant 0 : i32
      %dma_start3A_166 = arith.constant 0 : i32
      %dma_start3A_167 = tpu.memref_slice %arg6[%dma_start3A_153, %dma_start3A_165, %dma_start3A_166] : memref<4x128x128xf32, #tpu.memory_space<vmem>> -> memref<1x128x128xf32, #tpu.memory_space<vmem>>
      %dma_start3A_168 = tpu.memref_squeeze %dma_start3A_167 : memref<1x128x128xf32, #tpu.memory_space<vmem>> -> memref<128x128xf32, #tpu.memory_space<vmem>>
      tpu.enqueue_dma source(%dma_start3A_168 : memref<128x128xf32, #tpu.memory_space<vmem>>) target(%dma_start3A_164 : memref<128x128xf32, #tpu.memory_space<hbm>>) target_semaphore(%dma_start3A_162 : memref<!tpu.dma_semaphore, #tpu.memory_space<semaphore_mem>>)
      %mul3A_169 = arith.constant 4 : i32
      %mul3A_170 = arith.muli %scan3A_130, %mul3A_169 : i32
      %add3A_171 = arith.constant 1 : i32
      %add3A_172 = arith.addi %mul3A_170, %add3A_171 : i32
      %dma_wait3A_173 = arith.constant 0 : i32
      %dma_wait3A_174 = arith.constant 1 : i32
      %dma_wait3A_175 = arith.constant 1 : i32
      %dma_wait3A_176 = arith.constant 0 : i32
      %dma_wait3A_177 = arith.constant 0 : i32
      %dma_wait3A_178 = tpu.memref_slice %arg6[%dma_wait3A_174, %dma_wait3A_176, %dma_wait3A_177] : memref<4x128x128xf32, #tpu.memory_space<vmem>> -> memref<1x128x128xf32, #tpu.memory_space<vmem>>
      %dma_wait3A_179 = tpu.memref_squeeze %dma_wait3A_178 : memref<1x128x128xf32, #tpu.memory_space<vmem>> -> memref<128x128xf32, #tpu.memory_space<vmem>>
      %dma_wait3A_180 = arith.constant 0 : i32
      %dma_wait3A_181 = tpu.memref_slice %arg5[%dma_wait3A_173, %dma_wait3A_180] : memref<200x128xi32, #tpu.memory_space<vmem>> -> memref<1x128xi32, #tpu.memory_space<vmem>>
      %dma_wait3A_182 = tpu.memref_squeeze %dma_wait3A_181 : memref<1x128xi32, #tpu.memory_space<vmem>> -> memref<128xi32, #tpu.memory_space<vmem>>
      %dma_wait3A_183 = arith.constant 0 : i32
      %dma_wait3A_184 = arith.constant 0 : i32
      %dma_wait3A_185 = tpu.memref_slice %arg2[%dma_wait3A_183, %dma_wait3A_184] : memref<100000x128xf32, #tpu.memory_space<hbm>> -> memref<100000x128xf32, #tpu.memory_space<hbm>>
      %dma_wait3A_186 = tpu.memref_slice %arg7[%dma_wait3A_175] : memref<4x!tpu.dma_semaphore, #tpu.memory_space<semaphore_mem>> -> memref<1x!tpu.dma_semaphore, #tpu.memory_space<semaphore_mem>>
      %dma_wait3A_187 = tpu.memref_squeeze %dma_wait3A_186 : memref<1x!tpu.dma_semaphore, #tpu.memory_space<semaphore_mem>> -> memref<!tpu.dma_semaphore, #tpu.memory_space<semaphore_mem>>
      tpu.wait_indirect_dma semaphore(%dma_wait3A_187 : memref<!tpu.dma_semaphore, #tpu.memory_space<semaphore_mem>>) src(%dma_wait3A_185 : memref<100000x128xf32, #tpu.memory_space<hbm>>) dst(%dma_wait3A_179 : memref<128x128xf32, #tpu.memory_space<vmem>>)
      %mul3A_188 = arith.constant 128 : i32
      %mul3A_189 = arith.muli %add3A_172, %mul3A_188 : i32
      %add3A_190 = arith.addi %mul3A_2, %mul3A_189 : i32
      %dma_start3A_191 = arith.constant 1 : i32
      %dma_start3A_192 = arith.constant 1 : i32
      %dma_start3A_193 = arith.constant 0 : i32
      %dma_start3A_194 = arith.constant 0 : i32
      %dma_start3A_195 = tpu.memref_slice %arg6[%dma_start3A_191, %dma_start3A_193, %dma_start3A_194] : memref<4x128x128xf32, #tpu.memory_space<vmem>> -> memref<1x128x128xf32, #tpu.memory_space<vmem>>
      %dma_start3A_196 = tpu.memref_squeeze %dma_start3A_195 : memref<1x128x128xf32, #tpu.memory_space<vmem>> -> memref<128x128xf32, #tpu.memory_space<vmem>>
      %dma_start3A_197 = arith.constant 0 : i32
      %dma_start3A_198 = tpu.memref_slice %arg4[%add3A_190, %dma_start3A_197] : memref<819200x128xf32, #tpu.memory_space<hbm>> -> memref<128x128xf32, #tpu.memory_space<hbm>>
      %dma_start3A_199 = tpu.memref_slice %arg8[%dma_start3A_192] : memref<4x!tpu.dma_semaphore, #tpu.memory_space<semaphore_mem>> -> memref<1x!tpu.dma_semaphore, #tpu.memory_space<semaphore_mem>>
      %dma_start3A_200 = tpu.memref_squeeze %dma_start3A_199 : memref<1x!tpu.dma_semaphore, #tpu.memory_space<semaphore_mem>> -> memref<!tpu.dma_semaphore, #tpu.memory_space<semaphore_mem>>
      %dma_start3A_201 = arith.constant 0 : i32
      %dma_start3A_202 = tpu.memref_slice %arg4[%add3A_190, %dma_start3A_201] : memref<819200x128xf32, #tpu.memory_space<hbm>> -> memref<128x128xf32, #tpu.memory_space<hbm>>
      %dma_start3A_203 = arith.constant 0 : i32
      %dma_start3A_204 = arith.constant 0 : i32
      %dma_start3A_205 = tpu.memref_slice %arg6[%dma_start3A_191, %dma_start3A_203, %dma_start3A_204] : memref<4x128x128xf32, #tpu.memory_space<vmem>> -> memref<1x128x128xf32, #tpu.memory_space<vmem>>
      %dma_start3A_206 = tpu.memref_squeeze %dma_start3A_205 : memref<1x128x128xf32, #tpu.memory_space<vmem>> -> memref<128x128xf32, #tpu.memory_space<vmem>>
      tpu.enqueue_dma source(%dma_start3A_206 : memref<128x128xf32, #tpu.memory_space<vmem>>) target(%dma_start3A_202 : memref<128x128xf32, #tpu.memory_space<hbm>>) target_semaphore(%dma_start3A_200 : memref<!tpu.dma_semaphore, #tpu.memory_space<semaphore_mem>>)
      %mul3A_207 = arith.constant 4 : i32
      %mul3A_208 = arith.muli %scan3A_130, %mul3A_207 : i32
      %add3A_209 = arith.constant 2 : i32
      %add3A_210 = arith.addi %mul3A_208, %add3A_209 : i32
      %dma_wait3A_211 = arith.constant 0 : i32
      %dma_wait3A_212 = arith.constant 2 : i32
      %dma_wait3A_213 = arith.constant 2 : i32
      %dma_wait3A_214 = arith.constant 0 : i32
      %dma_wait3A_215 = arith.constant 0 : i32
      %dma_wait3A_216 = tpu.memref_slice %arg6[%dma_wait3A_212, %dma_wait3A_214, %dma_wait3A_215] : memref<4x128x128xf32, #tpu.memory_space<vmem>> -> memref<1x128x128xf32, #tpu.memory_space<vmem>>
      %dma_wait3A_217 = tpu.memref_squeeze %dma_wait3A_216 : memref<1x128x128xf32, #tpu.memory_space<vmem>> -> memref<128x128xf32, #tpu.memory_space<vmem>>
      %dma_wait3A_218 = arith.constant 0 : i32
      %dma_wait3A_219 = tpu.memref_slice %arg5[%dma_wait3A_211, %dma_wait3A_218] : memref<200x128xi32, #tpu.memory_space<vmem>> -> memref<1x128xi32, #tpu.memory_space<vmem>>
      %dma_wait3A_220 = tpu.memref_squeeze %dma_wait3A_219 : memref<1x128xi32, #tpu.memory_space<vmem>> -> memref<128xi32, #tpu.memory_space<vmem>>
      %dma_wait3A_221 = arith.constant 0 : i32
      %dma_wait3A_222 = arith.constant 0 : i32
      %dma_wait3A_223 = tpu.memref_slice %arg2[%dma_wait3A_221, %dma_wait3A_222] : memref<100000x128xf32, #tpu.memory_space<hbm>> -> memref<100000x128xf32, #tpu.memory_space<hbm>>
      %dma_wait3A_224 = tpu.memref_slice %arg7[%dma_wait3A_213] : memref<4x!tpu.dma_semaphore, #tpu.memory_space<semaphore_mem>> -> memref<1x!tpu.dma_semaphore, #tpu.memory_space<semaphore_mem>>
      %dma_wait3A_225 = tpu.memref_squeeze %dma_wait3A_224 : memref<1x!tpu.dma_semaphore, #tpu.memory_space<semaphore_mem>> -> memref<!tpu.dma_semaphore, #tpu.memory_space<semaphore_mem>>
      tpu.wait_indirect_dma semaphore(%dma_wait3A_225 : memref<!tpu.dma_semaphore, #tpu.memory_space<semaphore_mem>>) src(%dma_wait3A_223 : memref<100000x128xf32, #tpu.memory_space<hbm>>) dst(%dma_wait3A_217 : memref<128x128xf32, #tpu.memory_space<vmem>>)
      %mul3A_226 = arith.constant 128 : i32
      %mul3A_227 = arith.muli %add3A_210, %mul3A_226 : i32
      %add3A_228 = arith.addi %mul3A_2, %mul3A_227 : i32
      %dma_start3A_229 = arith.constant 2 : i32
      %dma_start3A_230 = arith.constant 2 : i32
      %dma_start3A_231 = arith.constant 0 : i32
      %dma_start3A_232 = arith.constant 0 : i32
      %dma_start3A_233 = tpu.memref_slice %arg6[%dma_start3A_229, %dma_start3A_231, %dma_start3A_232] : memref<4x128x128xf32, #tpu.memory_space<vmem>> -> memref<1x128x128xf32, #tpu.memory_space<vmem>>
      %dma_start3A_234 = tpu.memref_squeeze %dma_start3A_233 : memref<1x128x128xf32, #tpu.memory_space<vmem>> -> memref<128x128xf32, #tpu.memory_space<vmem>>
      %dma_start3A_235 = arith.constant 0 : i32
      %dma_start3A_236 = tpu.memref_slice %arg4[%add3A_228, %dma_start3A_235] : memref<819200x128xf32, #tpu.memory_space<hbm>> -> memref<128x128xf32, #tpu.memory_space<hbm>>
      %dma_start3A_237 = tpu.memref_slice %arg8[%dma_start3A_230] : memref<4x!tpu.dma_semaphore, #tpu.memory_space<semaphore_mem>> -> memref<1x!tpu.dma_semaphore, #tpu.memory_space<semaphore_mem>>
      %dma_start3A_238 = tpu.memref_squeeze %dma_start3A_237 : memref<1x!tpu.dma_semaphore, #tpu.memory_space<semaphore_mem>> -> memref<!tpu.dma_semaphore, #tpu.memory_space<semaphore_mem>>
      %dma_start3A_239 = arith.constant 0 : i32
      %dma_start3A_240 = tpu.memref_slice %arg4[%add3A_228, %dma_start3A_239] : memref<819200x128xf32, #tpu.memory_space<hbm>> -> memref<128x128xf32, #tpu.memory_space<hbm>>
      %dma_start3A_241 = arith.constant 0 : i32
      %dma_start3A_242 = arith.constant 0 : i32
      %dma_start3A_243 = tpu.memref_slice %arg6[%dma_start3A_229, %dma_start3A_241, %dma_start3A_242] : memref<4x128x128xf32, #tpu.memory_space<vmem>> -> memref<1x128x128xf32, #tpu.memory_space<vmem>>
      %dma_start3A_244 = tpu.memref_squeeze %dma_start3A_243 : memref<1x128x128xf32, #tpu.memory_space<vmem>> -> memref<128x128xf32, #tpu.memory_space<vmem>>
      tpu.enqueue_dma source(%dma_start3A_244 : memref<128x128xf32, #tpu.memory_space<vmem>>) target(%dma_start3A_240 : memref<128x128xf32, #tpu.memory_space<hbm>>) target_semaphore(%dma_start3A_238 : memref<!tpu.dma_semaphore, #tpu.memory_space<semaphore_mem>>)
      %mul3A_245 = arith.constant 4 : i32
      %mul3A_246 = arith.muli %scan3A_130, %mul3A_245 : i32
      %add3A_247 = arith.constant 3 : i32
      %add3A_248 = arith.addi %mul3A_246, %add3A_247 : i32
      %dma_wait3A_249 = arith.constant 0 : i32
      %dma_wait3A_250 = arith.constant 3 : i32
      %dma_wait3A_251 = arith.constant 3 : i32
      %dma_wait3A_252 = arith.constant 0 : i32
      %dma_wait3A_253 = arith.constant 0 : i32
      %dma_wait3A_254 = tpu.memref_slice %arg6[%dma_wait3A_250, %dma_wait3A_252, %dma_wait3A_253] : memref<4x128x128xf32, #tpu.memory_space<vmem>> -> memref<1x128x128xf32, #tpu.memory_space<vmem>>
      %dma_wait3A_255 = tpu.memref_squeeze %dma_wait3A_254 : memref<1x128x128xf32, #tpu.memory_space<vmem>> -> memref<128x128xf32, #tpu.memory_space<vmem>>
      %dma_wait3A_256 = arith.constant 0 : i32
      %dma_wait3A_257 = tpu.memref_slice %arg5[%dma_wait3A_249, %dma_wait3A_256] : memref<200x128xi32, #tpu.memory_space<vmem>> -> memref<1x128xi32, #tpu.memory_space<vmem>>
      %dma_wait3A_258 = tpu.memref_squeeze %dma_wait3A_257 : memref<1x128xi32, #tpu.memory_space<vmem>> -> memref<128xi32, #tpu.memory_space<vmem>>
      %dma_wait3A_259 = arith.constant 0 : i32
      %dma_wait3A_260 = arith.constant 0 : i32
      %dma_wait3A_261 = tpu.memref_slice %arg2[%dma_wait3A_259, %dma_wait3A_260] : memref<100000x128xf32, #tpu.memory_space<hbm>> -> memref<100000x128xf32, #tpu.memory_space<hbm>>
      %dma_wait3A_262 = tpu.memref_slice %arg7[%dma_wait3A_251] : memref<4x!tpu.dma_semaphore, #tpu.memory_space<semaphore_mem>> -> memref<1x!tpu.dma_semaphore, #tpu.memory_space<semaphore_mem>>
      %dma_wait3A_263 = tpu.memref_squeeze %dma_wait3A_262 : memref<1x!tpu.dma_semaphore, #tpu.memory_space<semaphore_mem>> -> memref<!tpu.dma_semaphore, #tpu.memory_space<semaphore_mem>>
      tpu.wait_indirect_dma semaphore(%dma_wait3A_263 : memref<!tpu.dma_semaphore, #tpu.memory_space<semaphore_mem>>) src(%dma_wait3A_261 : memref<100000x128xf32, #tpu.memory_space<hbm>>) dst(%dma_wait3A_255 : memref<128x128xf32, #tpu.memory_space<vmem>>)
      %mul3A_264 = arith.constant 128 : i32
      %mul3A_265 = arith.muli %add3A_248, %mul3A_264 : i32
      %add3A_266 = arith.addi %mul3A_2, %mul3A_265 : i32
      %dma_start3A_267 = arith.constant 3 : i32
      %dma_start3A_268 = arith.constant 3 : i32
      %dma_start3A_269 = arith.constant 0 : i32
      %dma_start3A_270 = arith.constant 0 : i32
      %dma_start3A_271 = tpu.memref_slice %arg6[%dma_start3A_267, %dma_start3A_269, %dma_start3A_270] : memref<4x128x128xf32, #tpu.memory_space<vmem>> -> memref<1x128x128xf32, #tpu.memory_space<vmem>>
      %dma_start3A_272 = tpu.memref_squeeze %dma_start3A_271 : memref<1x128x128xf32, #tpu.memory_space<vmem>> -> memref<128x128xf32, #tpu.memory_space<vmem>>
      %dma_start3A_273 = arith.constant 0 : i32
      %dma_start3A_274 = tpu.memref_slice %arg4[%add3A_266, %dma_start3A_273] : memref<819200x128xf32, #tpu.memory_space<hbm>> -> memref<128x128xf32, #tpu.memory_space<hbm>>
      %dma_start3A_275 = tpu.memref_slice %arg8[%dma_start3A_268] : memref<4x!tpu.dma_semaphore, #tpu.memory_space<semaphore_mem>> -> memref<1x!tpu.dma_semaphore, #tpu.memory_space<semaphore_mem>>
      %dma_start3A_276 = tpu.memref_squeeze %dma_start3A_275 : memref<1x!tpu.dma_semaphore, #tpu.memory_space<semaphore_mem>> -> memref<!tpu.dma_semaphore, #tpu.memory_space<semaphore_mem>>
      %dma_start3A_277 = arith.constant 0 : i32
      %dma_start3A_278 = tpu.memref_slice %arg4[%add3A_266, %dma_start3A_277] : memref<819200x128xf32, #tpu.memory_space<hbm>> -> memref<128x128xf32, #tpu.memory_space<hbm>>
      %dma_start3A_279 = arith.constant 0 : i32
      %dma_start3A_280 = arith.constant 0 : i32
      %dma_start3A_281 = tpu.memref_slice %arg6[%dma_start3A_267, %dma_start3A_279, %dma_start3A_280] : memref<4x128x128xf32, #tpu.memory_space<vmem>> -> memref<1x128x128xf32, #tpu.memory_space<vmem>>
      %dma_start3A_282 = tpu.memref_squeeze %dma_start3A_281 : memref<1x128x128xf32, #tpu.memory_space<vmem>> -> memref<128x128xf32, #tpu.memory_space<vmem>>
      tpu.enqueue_dma source(%dma_start3A_282 : memref<128x128xf32, #tpu.memory_space<vmem>>) target(%dma_start3A_278 : memref<128x128xf32, #tpu.memory_space<hbm>>) target_semaphore(%dma_start3A_276 : memref<!tpu.dma_semaphore, #tpu.memory_space<semaphore_mem>>)
      %add3A_283 = arith.constant 1 : i32
      %add3A_284 = arith.addi %scan3A_130, %add3A_283 : i32
      %lt3A = arith.constant 50 : i32
      %lt3A_285 = arith.cmpi slt, %add3A_284, %lt3A : i32
      %convert_element_type3A = arith.extui %lt3A_285 : i1 to i32
      %cond3A = arith.constant 0 : i32
      %cond3A_286 = arith.cmpi ne, %convert_element_type3A, %cond3A : i32
      scf.if %cond3A_286 {
        %dma_wait3A_308 = arith.constant 0 : i32
        %dma_wait3A_309 = arith.constant 0 : i32
        %dma_wait3A_310 = arith.constant 0 : i32
        %dma_wait3A_311 = arith.constant 0 : i32
        %dma_wait3A_312 = tpu.memref_slice %arg6[%dma_wait3A_308, %dma_wait3A_310, %dma_wait3A_311] : memref<4x128x128xf32, #tpu.memory_space<vmem>> -> memref<1x128x128xf32, #tpu.memory_space<vmem>>
        %dma_wait3A_313 = tpu.memref_squeeze %dma_wait3A_312 : memref<1x128x128xf32, #tpu.memory_space<vmem>> -> memref<128x128xf32, #tpu.memory_space<vmem>>
        %dma_wait3A_314 = arith.constant 0 : i32
        %dma_wait3A_315 = tpu.memref_slice %arg4[%mul3A_2, %dma_wait3A_314] : memref<819200x128xf32, #tpu.memory_space<hbm>> -> memref<128x128xf32, #tpu.memory_space<hbm>>
        %dma_wait3A_316 = tpu.memref_slice %arg8[%dma_wait3A_309] : memref<4x!tpu.dma_semaphore, #tpu.memory_space<semaphore_mem>> -> memref<1x!tpu.dma_semaphore, #tpu.memory_space<semaphore_mem>>
        %dma_wait3A_317 = tpu.memref_squeeze %dma_wait3A_316 : memref<1x!tpu.dma_semaphore, #tpu.memory_space<semaphore_mem>> -> memref<!tpu.dma_semaphore, #tpu.memory_space<semaphore_mem>>
        %dma_wait3A_318 = arith.constant 0 : i32
        %dma_wait3A_319 = tpu.memref_slice %arg4[%mul3A_2, %dma_wait3A_318] : memref<819200x128xf32, #tpu.memory_space<hbm>> -> memref<128x128xf32, #tpu.memory_space<hbm>>
        %dma_wait3A_320 = arith.constant 0 : i32
        %dma_wait3A_321 = arith.constant 0 : i32
        %dma_wait3A_322 = tpu.memref_slice %arg6[%dma_wait3A_308, %dma_wait3A_320, %dma_wait3A_321] : memref<4x128x128xf32, #tpu.memory_space<vmem>> -> memref<1x128x128xf32, #tpu.memory_space<vmem>>
        %dma_wait3A_323 = tpu.memref_squeeze %dma_wait3A_322 : memref<1x128x128xf32, #tpu.memory_space<vmem>> -> memref<128x128xf32, #tpu.memory_space<vmem>>
        tpu.wait_dma2 semaphore(%dma_wait3A_317 : memref<!tpu.dma_semaphore, #tpu.memory_space<semaphore_mem>>) src(%dma_wait3A_323 : memref<128x128xf32, #tpu.memory_space<vmem>>) dst(%dma_wait3A_319 : memref<128x128xf32, #tpu.memory_space<hbm>>)
        %add3A_324 = arith.constant 1 : i32
        %add3A_325 = arith.addi %scan3A_130, %add3A_324 : i32
        %mul3A_326 = arith.constant 4 : i32
        %mul3A_327 = arith.muli %add3A_325, %mul3A_326 : i32
        %add3A_328 = arith.constant 0 : i32
        %add3A_329 = arith.addi %mul3A_327, %add3A_328 : i32
        %dma_start3A_330 = arith.constant 0 : i32
        %dma_start3A_331 = arith.constant 0 : i32
        %dma_start3A_332 = arith.constant 0 : i32
        %dma_start3A_333 = arith.constant 0 : i32
        %dma_start3A_334 = tpu.memref_slice %arg6[%dma_start3A_330, %dma_start3A_332, %dma_start3A_333] : memref<4x128x128xf32, #tpu.memory_space<vmem>> -> memref<1x128x128xf32, #tpu.memory_space<vmem>>
        %dma_start3A_335 = tpu.memref_squeeze %dma_start3A_334 : memref<1x128x128xf32, #tpu.memory_space<vmem>> -> memref<128x128xf32, #tpu.memory_space<vmem>>
        %dma_start3A_336 = arith.constant 0 : i32
        %dma_start3A_337 = tpu.memref_slice %arg5[%add3A_329, %dma_start3A_336] : memref<200x128xi32, #tpu.memory_space<vmem>> -> memref<1x128xi32, #tpu.memory_space<vmem>>
        %dma_start3A_338 = tpu.memref_squeeze %dma_start3A_337 : memref<1x128xi32, #tpu.memory_space<vmem>> -> memref<128xi32, #tpu.memory_space<vmem>>
        %dma_start3A_339 = arith.constant 0 : i32
        %dma_start3A_340 = arith.constant 0 : i32
        %dma_start3A_341 = tpu.memref_slice %arg2[%dma_start3A_339, %dma_start3A_340] : memref<100000x128xf32, #tpu.memory_space<hbm>> -> memref<100000x128xf32, #tpu.memory_space<hbm>>
        %dma_start3A_342 = tpu.memref_slice %arg7[%dma_start3A_331] : memref<4x!tpu.dma_semaphore, #tpu.memory_space<semaphore_mem>> -> memref<1x!tpu.dma_semaphore, #tpu.memory_space<semaphore_mem>>
        %dma_start3A_343 = tpu.memref_squeeze %dma_start3A_342 : memref<1x!tpu.dma_semaphore, #tpu.memory_space<semaphore_mem>> -> memref<!tpu.dma_semaphore, #tpu.memory_space<semaphore_mem>>
        tpu.enqueue_indirect_dma source(%dma_start3A_341 : memref<100000x128xf32, #tpu.memory_space<hbm>>) target(%dma_start3A_335 : memref<128x128xf32, #tpu.memory_space<vmem>>) offsets(%dma_start3A_338 : memref<128xi32, #tpu.memory_space<vmem>>) semaphore(%dma_start3A_343 : memref<!tpu.dma_semaphore, #tpu.memory_space<semaphore_mem>>)
      } else {
      }
      %add3A_287 = arith.constant 1 : i32
      %add3A_288 = arith.addi %scan3A_130, %add3A_287 : i32
      %lt3A_289 = arith.constant 50 : i32
      %lt3A_290 = arith.cmpi slt, %add3A_288, %lt3A_289 : i32
      %convert_element_type3A_291 = arith.extui %lt3A_290 : i1 to i32
      %cond3A_292 = arith.constant 0 : i32
      %cond3A_293 = arith.cmpi ne, %convert_element_type3A_291, %cond3A_292 : i32
      scf.if %cond3A_293 {
        %dma_wait3A_308 = arith.constant 1 : i32
        %dma_wait3A_309 = arith.constant 1 : i32
        %dma_wait3A_310 = arith.constant 0 : i32
        %dma_wait3A_311 = arith.constant 0 : i32
        %dma_wait3A_312 = tpu.memref_slice %arg6[%dma_wait3A_308, %dma_wait3A_310, %dma_wait3A_311] : memref<4x128x128xf32, #tpu.memory_space<vmem>> -> memref<1x128x128xf32, #tpu.memory_space<vmem>>
        %dma_wait3A_313 = tpu.memref_squeeze %dma_wait3A_312 : memref<1x128x128xf32, #tpu.memory_space<vmem>> -> memref<128x128xf32, #tpu.memory_space<vmem>>
        %dma_wait3A_314 = arith.constant 0 : i32
        %dma_wait3A_315 = tpu.memref_slice %arg4[%mul3A_2, %dma_wait3A_314] : memref<819200x128xf32, #tpu.memory_space<hbm>> -> memref<128x128xf32, #tpu.memory_space<hbm>>
        %dma_wait3A_316 = tpu.memref_slice %arg8[%dma_wait3A_309] : memref<4x!tpu.dma_semaphore, #tpu.memory_space<semaphore_mem>> -> memref<1x!tpu.dma_semaphore, #tpu.memory_space<semaphore_mem>>
        %dma_wait3A_317 = tpu.memref_squeeze %dma_wait3A_316 : memref<1x!tpu.dma_semaphore, #tpu.memory_space<semaphore_mem>> -> memref<!tpu.dma_semaphore, #tpu.memory_space<semaphore_mem>>
        %dma_wait3A_318 = arith.constant 0 : i32
        %dma_wait3A_319 = tpu.memref_slice %arg4[%mul3A_2, %dma_wait3A_318] : memref<819200x128xf32, #tpu.memory_space<hbm>> -> memref<128x128xf32, #tpu.memory_space<hbm>>
        %dma_wait3A_320 = arith.constant 0 : i32
        %dma_wait3A_321 = arith.constant 0 : i32
        %dma_wait3A_322 = tpu.memref_slice %arg6[%dma_wait3A_308, %dma_wait3A_320, %dma_wait3A_321] : memref<4x128x128xf32, #tpu.memory_space<vmem>> -> memref<1x128x128xf32, #tpu.memory_space<vmem>>
        %dma_wait3A_323 = tpu.memref_squeeze %dma_wait3A_322 : memref<1x128x128xf32, #tpu.memory_space<vmem>> -> memref<128x128xf32, #tpu.memory_space<vmem>>
        tpu.wait_dma2 semaphore(%dma_wait3A_317 : memref<!tpu.dma_semaphore, #tpu.memory_space<semaphore_mem>>) src(%dma_wait3A_323 : memref<128x128xf32, #tpu.memory_space<vmem>>) dst(%dma_wait3A_319 : memref<128x128xf32, #tpu.memory_space<hbm>>)
        %add3A_324 = arith.constant 1 : i32
        %add3A_325 = arith.addi %scan3A_130, %add3A_324 : i32
        %mul3A_326 = arith.constant 4 : i32
        %mul3A_327 = arith.muli %add3A_325, %mul3A_326 : i32
        %add3A_328 = arith.constant 1 : i32
        %add3A_329 = arith.addi %mul3A_327, %add3A_328 : i32
        %dma_start3A_330 = arith.constant 1 : i32
        %dma_start3A_331 = arith.constant 1 : i32
        %dma_start3A_332 = arith.constant 0 : i32
        %dma_start3A_333 = arith.constant 0 : i32
        %dma_start3A_334 = tpu.memref_slice %arg6[%dma_start3A_330, %dma_start3A_332, %dma_start3A_333] : memref<4x128x128xf32, #tpu.memory_space<vmem>> -> memref<1x128x128xf32, #tpu.memory_space<vmem>>
        %dma_start3A_335 = tpu.memref_squeeze %dma_start3A_334 : memref<1x128x128xf32, #tpu.memory_space<vmem>> -> memref<128x128xf32, #tpu.memory_space<vmem>>
        %dma_start3A_336 = arith.constant 0 : i32
        %dma_start3A_337 = tpu.memref_slice %arg5[%add3A_329, %dma_start3A_336] : memref<200x128xi32, #tpu.memory_space<vmem>> -> memref<1x128xi32, #tpu.memory_space<vmem>>
        %dma_start3A_338 = tpu.memref_squeeze %dma_start3A_337 : memref<1x128xi32, #tpu.memory_space<vmem>> -> memref<128xi32, #tpu.memory_space<vmem>>
        %dma_start3A_339 = arith.constant 0 : i32
        %dma_start3A_340 = arith.constant 0 : i32
        %dma_start3A_341 = tpu.memref_slice %arg2[%dma_start3A_339, %dma_start3A_340] : memref<100000x128xf32, #tpu.memory_space<hbm>> -> memref<100000x128xf32, #tpu.memory_space<hbm>>
        %dma_start3A_342 = tpu.memref_slice %arg7[%dma_start3A_331] : memref<4x!tpu.dma_semaphore, #tpu.memory_space<semaphore_mem>> -> memref<1x!tpu.dma_semaphore, #tpu.memory_space<semaphore_mem>>
        %dma_start3A_343 = tpu.memref_squeeze %dma_start3A_342 : memref<1x!tpu.dma_semaphore, #tpu.memory_space<semaphore_mem>> -> memref<!tpu.dma_semaphore, #tpu.memory_space<semaphore_mem>>
        tpu.enqueue_indirect_dma source(%dma_start3A_341 : memref<100000x128xf32, #tpu.memory_space<hbm>>) target(%dma_start3A_335 : memref<128x128xf32, #tpu.memory_space<vmem>>) offsets(%dma_start3A_338 : memref<128xi32, #tpu.memory_space<vmem>>) semaphore(%dma_start3A_343 : memref<!tpu.dma_semaphore, #tpu.memory_space<semaphore_mem>>)
      } else {
      }
      %add3A_294 = arith.constant 1 : i32
      %add3A_295 = arith.addi %scan3A_130, %add3A_294 : i32
      %lt3A_296 = arith.constant 50 : i32
      %lt3A_297 = arith.cmpi slt, %add3A_295, %lt3A_296 : i32
      %convert_element_type3A_298 = arith.extui %lt3A_297 : i1 to i32
      %cond3A_299 = arith.constant 0 : i32
      %cond3A_300 = arith.cmpi ne, %convert_element_type3A_298, %cond3A_299 : i32
      scf.if %cond3A_300 {
        %dma_wait3A_308 = arith.constant 2 : i32
        %dma_wait3A_309 = arith.constant 2 : i32
        %dma_wait3A_310 = arith.constant 0 : i32
        %dma_wait3A_311 = arith.constant 0 : i32
        %dma_wait3A_312 = tpu.memref_slice %arg6[%dma_wait3A_308, %dma_wait3A_310, %dma_wait3A_311] : memref<4x128x128xf32, #tpu.memory_space<vmem>> -> memref<1x128x128xf32, #tpu.memory_space<vmem>>
        %dma_wait3A_313 = tpu.memref_squeeze %dma_wait3A_312 : memref<1x128x128xf32, #tpu.memory_space<vmem>> -> memref<128x128xf32, #tpu.memory_space<vmem>>
        %dma_wait3A_314 = arith.constant 0 : i32
        %dma_wait3A_315 = tpu.memref_slice %arg4[%mul3A_2, %dma_wait3A_314] : memref<819200x128xf32, #tpu.memory_space<hbm>> -> memref<128x128xf32, #tpu.memory_space<hbm>>
        %dma_wait3A_316 = tpu.memref_slice %arg8[%dma_wait3A_309] : memref<4x!tpu.dma_semaphore, #tpu.memory_space<semaphore_mem>> -> memref<1x!tpu.dma_semaphore, #tpu.memory_space<semaphore_mem>>
        %dma_wait3A_317 = tpu.memref_squeeze %dma_wait3A_316 : memref<1x!tpu.dma_semaphore, #tpu.memory_space<semaphore_mem>> -> memref<!tpu.dma_semaphore, #tpu.memory_space<semaphore_mem>>
        %dma_wait3A_318 = arith.constant 0 : i32
        %dma_wait3A_319 = tpu.memref_slice %arg4[%mul3A_2, %dma_wait3A_318] : memref<819200x128xf32, #tpu.memory_space<hbm>> -> memref<128x128xf32, #tpu.memory_space<hbm>>
        %dma_wait3A_320 = arith.constant 0 : i32
        %dma_wait3A_321 = arith.constant 0 : i32
        %dma_wait3A_322 = tpu.memref_slice %arg6[%dma_wait3A_308, %dma_wait3A_320, %dma_wait3A_321] : memref<4x128x128xf32, #tpu.memory_space<vmem>> -> memref<1x128x128xf32, #tpu.memory_space<vmem>>
        %dma_wait3A_323 = tpu.memref_squeeze %dma_wait3A_322 : memref<1x128x128xf32, #tpu.memory_space<vmem>> -> memref<128x128xf32, #tpu.memory_space<vmem>>
        tpu.wait_dma2 semaphore(%dma_wait3A_317 : memref<!tpu.dma_semaphore, #tpu.memory_space<semaphore_mem>>) src(%dma_wait3A_323 : memref<128x128xf32, #tpu.memory_space<vmem>>) dst(%dma_wait3A_319 : memref<128x128xf32, #tpu.memory_space<hbm>>)
        %add3A_324 = arith.constant 1 : i32
        %add3A_325 = arith.addi %scan3A_130, %add3A_324 : i32
        %mul3A_326 = arith.constant 4 : i32
        %mul3A_327 = arith.muli %add3A_325, %mul3A_326 : i32
        %add3A_328 = arith.constant 2 : i32
        %add3A_329 = arith.addi %mul3A_327, %add3A_328 : i32
        %dma_start3A_330 = arith.constant 2 : i32
        %dma_start3A_331 = arith.constant 2 : i32
        %dma_start3A_332 = arith.constant 0 : i32
        %dma_start3A_333 = arith.constant 0 : i32
        %dma_start3A_334 = tpu.memref_slice %arg6[%dma_start3A_330, %dma_start3A_332, %dma_start3A_333] : memref<4x128x128xf32, #tpu.memory_space<vmem>> -> memref<1x128x128xf32, #tpu.memory_space<vmem>>
        %dma_start3A_335 = tpu.memref_squeeze %dma_start3A_334 : memref<1x128x128xf32, #tpu.memory_space<vmem>> -> memref<128x128xf32, #tpu.memory_space<vmem>>
        %dma_start3A_336 = arith.constant 0 : i32
        %dma_start3A_337 = tpu.memref_slice %arg5[%add3A_329, %dma_start3A_336] : memref<200x128xi32, #tpu.memory_space<vmem>> -> memref<1x128xi32, #tpu.memory_space<vmem>>
        %dma_start3A_338 = tpu.memref_squeeze %dma_start3A_337 : memref<1x128xi32, #tpu.memory_space<vmem>> -> memref<128xi32, #tpu.memory_space<vmem>>
        %dma_start3A_339 = arith.constant 0 : i32
        %dma_start3A_340 = arith.constant 0 : i32
        %dma_start3A_341 = tpu.memref_slice %arg2[%dma_start3A_339, %dma_start3A_340] : memref<100000x128xf32, #tpu.memory_space<hbm>> -> memref<100000x128xf32, #tpu.memory_space<hbm>>
        %dma_start3A_342 = tpu.memref_slice %arg7[%dma_start3A_331] : memref<4x!tpu.dma_semaphore, #tpu.memory_space<semaphore_mem>> -> memref<1x!tpu.dma_semaphore, #tpu.memory_space<semaphore_mem>>
        %dma_start3A_343 = tpu.memref_squeeze %dma_start3A_342 : memref<1x!tpu.dma_semaphore, #tpu.memory_space<semaphore_mem>> -> memref<!tpu.dma_semaphore, #tpu.memory_space<semaphore_mem>>
        tpu.enqueue_indirect_dma source(%dma_start3A_341 : memref<100000x128xf32, #tpu.memory_space<hbm>>) target(%dma_start3A_335 : memref<128x128xf32, #tpu.memory_space<vmem>>) offsets(%dma_start3A_338 : memref<128xi32, #tpu.memory_space<vmem>>) semaphore(%dma_start3A_343 : memref<!tpu.dma_semaphore, #tpu.memory_space<semaphore_mem>>)
      } else {
      }
      %add3A_301 = arith.constant 1 : i32
      %add3A_302 = arith.addi %scan3A_130, %add3A_301 : i32
      %lt3A_303 = arith.constant 50 : i32
      %lt3A_304 = arith.cmpi slt, %add3A_302, %lt3A_303 : i32
      %convert_element_type3A_305 = arith.extui %lt3A_304 : i1 to i32
      %cond3A_306 = arith.constant 0 : i32
      %cond3A_307 = arith.cmpi ne, %convert_element_type3A_305, %cond3A_306 : i32
      scf.if %cond3A_307 {
        %dma_wait3A_308 = arith.constant 3 : i32
        %dma_wait3A_309 = arith.constant 3 : i32
        %dma_wait3A_310 = arith.constant 0 : i32
        %dma_wait3A_311 = arith.constant 0 : i32
        %dma_wait3A_312 = tpu.memref_slice %arg6[%dma_wait3A_308, %dma_wait3A_310, %dma_wait3A_311] : memref<4x128x128xf32, #tpu.memory_space<vmem>> -> memref<1x128x128xf32, #tpu.memory_space<vmem>>
        %dma_wait3A_313 = tpu.memref_squeeze %dma_wait3A_312 : memref<1x128x128xf32, #tpu.memory_space<vmem>> -> memref<128x128xf32, #tpu.memory_space<vmem>>
        %dma_wait3A_314 = arith.constant 0 : i32
        %dma_wait3A_315 = tpu.memref_slice %arg4[%mul3A_2, %dma_wait3A_314] : memref<819200x128xf32, #tpu.memory_space<hbm>> -> memref<128x128xf32, #tpu.memory_space<hbm>>
        %dma_wait3A_316 = tpu.memref_slice %arg8[%dma_wait3A_309] : memref<4x!tpu.dma_semaphore, #tpu.memory_space<semaphore_mem>> -> memref<1x!tpu.dma_semaphore, #tpu.memory_space<semaphore_mem>>
        %dma_wait3A_317 = tpu.memref_squeeze %dma_wait3A_316 : memref<1x!tpu.dma_semaphore, #tpu.memory_space<semaphore_mem>> -> memref<!tpu.dma_semaphore, #tpu.memory_space<semaphore_mem>>
        %dma_wait3A_318 = arith.constant 0 : i32
        %dma_wait3A_319 = tpu.memref_slice %arg4[%mul3A_2, %dma_wait3A_318] : memref<819200x128xf32, #tpu.memory_space<hbm>> -> memref<128x128xf32, #tpu.memory_space<hbm>>
        %dma_wait3A_320 = arith.constant 0 : i32
        %dma_wait3A_321 = arith.constant 0 : i32
        %dma_wait3A_322 = tpu.memref_slice %arg6[%dma_wait3A_308, %dma_wait3A_320, %dma_wait3A_321] : memref<4x128x128xf32, #tpu.memory_space<vmem>> -> memref<1x128x128xf32, #tpu.memory_space<vmem>>
        %dma_wait3A_323 = tpu.memref_squeeze %dma_wait3A_322 : memref<1x128x128xf32, #tpu.memory_space<vmem>> -> memref<128x128xf32, #tpu.memory_space<vmem>>
        tpu.wait_dma2 semaphore(%dma_wait3A_317 : memref<!tpu.dma_semaphore, #tpu.memory_space<semaphore_mem>>) src(%dma_wait3A_323 : memref<128x128xf32, #tpu.memory_space<vmem>>) dst(%dma_wait3A_319 : memref<128x128xf32, #tpu.memory_space<hbm>>)
        %add3A_324 = arith.constant 1 : i32
        %add3A_325 = arith.addi %scan3A_130, %add3A_324 : i32
        %mul3A_326 = arith.constant 4 : i32
        %mul3A_327 = arith.muli %add3A_325, %mul3A_326 : i32
        %add3A_328 = arith.constant 3 : i32
        %add3A_329 = arith.addi %mul3A_327, %add3A_328 : i32
        %dma_start3A_330 = arith.constant 3 : i32
        %dma_start3A_331 = arith.constant 3 : i32
        %dma_start3A_332 = arith.constant 0 : i32
        %dma_start3A_333 = arith.constant 0 : i32
        %dma_start3A_334 = tpu.memref_slice %arg6[%dma_start3A_330, %dma_start3A_332, %dma_start3A_333] : memref<4x128x128xf32, #tpu.memory_space<vmem>> -> memref<1x128x128xf32, #tpu.memory_space<vmem>>
        %dma_start3A_335 = tpu.memref_squeeze %dma_start3A_334 : memref<1x128x128xf32, #tpu.memory_space<vmem>> -> memref<128x128xf32, #tpu.memory_space<vmem>>
        %dma_start3A_336 = arith.constant 0 : i32
        %dma_start3A_337 = tpu.memref_slice %arg5[%add3A_329, %dma_start3A_336] : memref<200x128xi32, #tpu.memory_space<vmem>> -> memref<1x128xi32, #tpu.memory_space<vmem>>
        %dma_start3A_338 = tpu.memref_squeeze %dma_start3A_337 : memref<1x128xi32, #tpu.memory_space<vmem>> -> memref<128xi32, #tpu.memory_space<vmem>>
        %dma_start3A_339 = arith.constant 0 : i32
        %dma_start3A_340 = arith.constant 0 : i32
        %dma_start3A_341 = tpu.memref_slice %arg2[%dma_start3A_339, %dma_start3A_340] : memref<100000x128xf32, #tpu.memory_space<hbm>> -> memref<100000x128xf32, #tpu.memory_space<hbm>>
        %dma_start3A_342 = tpu.memref_slice %arg7[%dma_start3A_331] : memref<4x!tpu.dma_semaphore, #tpu.memory_space<semaphore_mem>> -> memref<1x!tpu.dma_semaphore, #tpu.memory_space<semaphore_mem>>
        %dma_start3A_343 = tpu.memref_squeeze %dma_start3A_342 : memref<1x!tpu.dma_semaphore, #tpu.memory_space<semaphore_mem>> -> memref<!tpu.dma_semaphore, #tpu.memory_space<semaphore_mem>>
        tpu.enqueue_indirect_dma source(%dma_start3A_341 : memref<100000x128xf32, #tpu.memory_space<hbm>>) target(%dma_start3A_335 : memref<128x128xf32, #tpu.memory_space<vmem>>) offsets(%dma_start3A_338 : memref<128xi32, #tpu.memory_space<vmem>>) semaphore(%dma_start3A_343 : memref<!tpu.dma_semaphore, #tpu.memory_space<semaphore_mem>>)
      } else {
      }
    }
    %scan3A_66 = arith.constant 50 : i32
    %dma_wait3A = arith.constant 0 : i32
    %dma_wait3A_67 = arith.constant 0 : i32
    %dma_wait3A_68 = arith.constant 0 : i32
    %dma_wait3A_69 = arith.constant 0 : i32
    %dma_wait3A_70 = tpu.memref_slice %arg6[%dma_wait3A, %dma_wait3A_68, %dma_wait3A_69] : memref<4x128x128xf32, #tpu.memory_space<vmem>> -> memref<1x128x128xf32, #tpu.memory_space<vmem>>
    %dma_wait3A_71 = tpu.memref_squeeze %dma_wait3A_70 : memref<1x128x128xf32, #tpu.memory_space<vmem>> -> memref<128x128xf32, #tpu.memory_space<vmem>>
    %dma_wait3A_72 = arith.constant 0 : i32
    %dma_wait3A_73 = tpu.memref_slice %arg4[%mul3A_2, %dma_wait3A_72] : memref<819200x128xf32, #tpu.memory_space<hbm>> -> memref<128x128xf32, #tpu.memory_space<hbm>>
    %dma_wait3A_74 = tpu.memref_slice %arg8[%dma_wait3A_67] : memref<4x!tpu.dma_semaphore, #tpu.memory_space<semaphore_mem>> -> memref<1x!tpu.dma_semaphore, #tpu.memory_space<semaphore_mem>>
    %dma_wait3A_75 = tpu.memref_squeeze %dma_wait3A_74 : memref<1x!tpu.dma_semaphore, #tpu.memory_space<semaphore_mem>> -> memref<!tpu.dma_semaphore, #tpu.memory_space<semaphore_mem>>
    %dma_wait3A_76 = arith.constant 0 : i32
    %dma_wait3A_77 = tpu.memref_slice %arg4[%mul3A_2, %dma_wait3A_76] : memref<819200x128xf32, #tpu.memory_space<hbm>> -> memref<128x128xf32, #tpu.memory_space<hbm>>
    %dma_wait3A_78 = arith.constant 0 : i32
    %dma_wait3A_79 = arith.constant 0 : i32
    %dma_wait3A_80 = tpu.memref_slice %arg6[%dma_wait3A, %dma_wait3A_78, %dma_wait3A_79] : memref<4x128x128xf32, #tpu.memory_space<vmem>> -> memref<1x128x128xf32, #tpu.memory_space<vmem>>
    %dma_wait3A_81 = tpu.memref_squeeze %dma_wait3A_80 : memref<1x128x128xf32, #tpu.memory_space<vmem>> -> memref<128x128xf32, #tpu.memory_space<vmem>>
    tpu.wait_dma2 semaphore(%dma_wait3A_75 : memref<!tpu.dma_semaphore, #tpu.memory_space<semaphore_mem>>) src(%dma_wait3A_81 : memref<128x128xf32, #tpu.memory_space<vmem>>) dst(%dma_wait3A_77 : memref<128x128xf32, #tpu.memory_space<hbm>>)
    %dma_wait3A_82 = arith.constant 1 : i32
    %dma_wait3A_83 = arith.constant 1 : i32
    %dma_wait3A_84 = arith.constant 0 : i32
    %dma_wait3A_85 = arith.constant 0 : i32
    %dma_wait3A_86 = tpu.memref_slice %arg6[%dma_wait3A_82, %dma_wait3A_84, %dma_wait3A_85] : memref<4x128x128xf32, #tpu.memory_space<vmem>> -> memref<1x128x128xf32, #tpu.memory_space<vmem>>
    %dma_wait3A_87 = tpu.memref_squeeze %dma_wait3A_86 : memref<1x128x128xf32, #tpu.memory_space<vmem>> -> memref<128x128xf32, #tpu.memory_space<vmem>>
    %dma_wait3A_88 = arith.constant 0 : i32
    %dma_wait3A_89 = tpu.memref_slice %arg4[%mul3A_2, %dma_wait3A_88] : memref<819200x128xf32, #tpu.memory_space<hbm>> -> memref<128x128xf32, #tpu.memory_space<hbm>>
    %dma_wait3A_90 = tpu.memref_slice %arg8[%dma_wait3A_83] : memref<4x!tpu.dma_semaphore, #tpu.memory_space<semaphore_mem>> -> memref<1x!tpu.dma_semaphore, #tpu.memory_space<semaphore_mem>>
    %dma_wait3A_91 = tpu.memref_squeeze %dma_wait3A_90 : memref<1x!tpu.dma_semaphore, #tpu.memory_space<semaphore_mem>> -> memref<!tpu.dma_semaphore, #tpu.memory_space<semaphore_mem>>
    %dma_wait3A_92 = arith.constant 0 : i32
    %dma_wait3A_93 = tpu.memref_slice %arg4[%mul3A_2, %dma_wait3A_92] : memref<819200x128xf32, #tpu.memory_space<hbm>> -> memref<128x128xf32, #tpu.memory_space<hbm>>
    %dma_wait3A_94 = arith.constant 0 : i32
    %dma_wait3A_95 = arith.constant 0 : i32
    %dma_wait3A_96 = tpu.memref_slice %arg6[%dma_wait3A_82, %dma_wait3A_94, %dma_wait3A_95] : memref<4x128x128xf32, #tpu.memory_space<vmem>> -> memref<1x128x128xf32, #tpu.memory_space<vmem>>
    %dma_wait3A_97 = tpu.memref_squeeze %dma_wait3A_96 : memref<1x128x128xf32, #tpu.memory_space<vmem>> -> memref<128x128xf32, #tpu.memory_space<vmem>>
    tpu.wait_dma2 semaphore(%dma_wait3A_91 : memref<!tpu.dma_semaphore, #tpu.memory_space<semaphore_mem>>) src(%dma_wait3A_97 : memref<128x128xf32, #tpu.memory_space<vmem>>) dst(%dma_wait3A_93 : memref<128x128xf32, #tpu.memory_space<hbm>>)
    %dma_wait3A_98 = arith.constant 2 : i32
    %dma_wait3A_99 = arith.constant 2 : i32
    %dma_wait3A_100 = arith.constant 0 : i32
    %dma_wait3A_101 = arith.constant 0 : i32
    %dma_wait3A_102 = tpu.memref_slice %arg6[%dma_wait3A_98, %dma_wait3A_100, %dma_wait3A_101] : memref<4x128x128xf32, #tpu.memory_space<vmem>> -> memref<1x128x128xf32, #tpu.memory_space<vmem>>
    %dma_wait3A_103 = tpu.memref_squeeze %dma_wait3A_102 : memref<1x128x128xf32, #tpu.memory_space<vmem>> -> memref<128x128xf32, #tpu.memory_space<vmem>>
    %dma_wait3A_104 = arith.constant 0 : i32
    %dma_wait3A_105 = tpu.memref_slice %arg4[%mul3A_2, %dma_wait3A_104] : memref<819200x128xf32, #tpu.memory_space<hbm>> -> memref<128x128xf32, #tpu.memory_space<hbm>>
    %dma_wait3A_106 = tpu.memref_slice %arg8[%dma_wait3A_99] : memref<4x!tpu.dma_semaphore, #tpu.memory_space<semaphore_mem>> -> memref<1x!tpu.dma_semaphore, #tpu.memory_space<semaphore_mem>>
    %dma_wait3A_107 = tpu.memref_squeeze %dma_wait3A_106 : memref<1x!tpu.dma_semaphore, #tpu.memory_space<semaphore_mem>> -> memref<!tpu.dma_semaphore, #tpu.memory_space<semaphore_mem>>
    %dma_wait3A_108 = arith.constant 0 : i32
    %dma_wait3A_109 = tpu.memref_slice %arg4[%mul3A_2, %dma_wait3A_108] : memref<819200x128xf32, #tpu.memory_space<hbm>> -> memref<128x128xf32, #tpu.memory_space<hbm>>
    %dma_wait3A_110 = arith.constant 0 : i32
    %dma_wait3A_111 = arith.constant 0 : i32
    %dma_wait3A_112 = tpu.memref_slice %arg6[%dma_wait3A_98, %dma_wait3A_110, %dma_wait3A_111] : memref<4x128x128xf32, #tpu.memory_space<vmem>> -> memref<1x128x128xf32, #tpu.memory_space<vmem>>
    %dma_wait3A_113 = tpu.memref_squeeze %dma_wait3A_112 : memref<1x128x128xf32, #tpu.memory_space<vmem>> -> memref<128x128xf32, #tpu.memory_space<vmem>>
    tpu.wait_dma2 semaphore(%dma_wait3A_107 : memref<!tpu.dma_semaphore, #tpu.memory_space<semaphore_mem>>) src(%dma_wait3A_113 : memref<128x128xf32, #tpu.memory_space<vmem>>) dst(%dma_wait3A_109 : memref<128x128xf32, #tpu.memory_space<hbm>>)
    %dma_wait3A_114 = arith.constant 3 : i32
    %dma_wait3A_115 = arith.constant 3 : i32
    %dma_wait3A_116 = arith.constant 0 : i32
    %dma_wait3A_117 = arith.constant 0 : i32
    %dma_wait3A_118 = tpu.memref_slice %arg6[%dma_wait3A_114, %dma_wait3A_116, %dma_wait3A_117] : memref<4x128x128xf32, #tpu.memory_space<vmem>> -> memref<1x128x128xf32, #tpu.memory_space<vmem>>
    %dma_wait3A_119 = tpu.memref_squeeze %dma_wait3A_118 : memref<1x128x128xf32, #tpu.memory_space<vmem>> -> memref<128x128xf32, #tpu.memory_space<vmem>>
    %dma_wait3A_120 = arith.constant 0 : i32
    %dma_wait3A_121 = tpu.memref_slice %arg4[%mul3A_2, %dma_wait3A_120] : memref<819200x128xf32, #tpu.memory_space<hbm>> -> memref<128x128xf32, #tpu.memory_space<hbm>>
    %dma_wait3A_122 = tpu.memref_slice %arg8[%dma_wait3A_115] : memref<4x!tpu.dma_semaphore, #tpu.memory_space<semaphore_mem>> -> memref<1x!tpu.dma_semaphore, #tpu.memory_space<semaphore_mem>>
    %dma_wait3A_123 = tpu.memref_squeeze %dma_wait3A_122 : memref<1x!tpu.dma_semaphore, #tpu.memory_space<semaphore_mem>> -> memref<!tpu.dma_semaphore, #tpu.memory_space<semaphore_mem>>
    %dma_wait3A_124 = arith.constant 0 : i32
    %dma_wait3A_125 = tpu.memref_slice %arg4[%mul3A_2, %dma_wait3A_124] : memref<819200x128xf32, #tpu.memory_space<hbm>> -> memref<128x128xf32, #tpu.memory_space<hbm>>
    %dma_wait3A_126 = arith.constant 0 : i32
    %dma_wait3A_127 = arith.constant 0 : i32
    %dma_wait3A_128 = tpu.memref_slice %arg6[%dma_wait3A_114, %dma_wait3A_126, %dma_wait3A_127] : memref<4x128x128xf32, #tpu.memory_space<vmem>> -> memref<1x128x128xf32, #tpu.memory_space<vmem>>
    %dma_wait3A_129 = tpu.memref_squeeze %dma_wait3A_128 : memref<1x128x128xf32, #tpu.memory_space<vmem>> -> memref<128x128xf32, #tpu.memory_space<vmem>>
    tpu.wait_dma2 semaphore(%dma_wait3A_123 : memref<!tpu.dma_semaphore, #tpu.memory_space<semaphore_mem>>) src(%dma_wait3A_129 : memref<128x128xf32, #tpu.memory_space<vmem>>) dst(%dma_wait3A_125 : memref<128x128xf32, #tpu.memory_space<hbm>>)
    return
  }
}

</mosaic_0001>

<sc_bundles>
// kernel: _sc_gather.3.cloned.1.call-start
scs
__scs_entry_jumppad:
0x0: {  	(pc) =	sbr.rel $0x88, $3  }
0x1: {  	(tag) =	ssettag $0x0;
	lr =	simm.s32 $0x1  }
0x2: {  	[smem:$0x3F9F] =	sst lr;
	_ =	strace $0xD0000000  }
0x3: {  	_ = 	snop  }
0x4: {  	_ = 	snop  }
0x5: {  	_ = 	snop  }
0x6: {  	_ = 	snop  }
0x7: {  	_ = 	snop  }
__scs_overlays_trampoline_lowered:
0x8: {  	[smem:$0x3FAE] =	sst s0  }
0x9: {  	[smem:$0x3FAF] =	sst s1  }
0xa: {  	[smem:$0x3FB0] =	sst s2  }
0xb: {  	[smem:$0x3FB1] =	sst s3  }
0xc: {  	[smem:$0x3FB2] =	sst s4  }
0xd: {  	[smem:$0x3FB3] =	sst s5  }
0xe: {  	[smem:$0x3FB4] =	sst s6  }
0xf: {  	[smem:$0x3FB5] =	sst s7  }
0x10: {  	[smem:$0x3FB6] =	sst s8  }
0x11: {  	[smem:$0x3FB7] =	sst s9;
	s0 =	simm.s32 @!p0 $0x0  }
0x12: {  	s1 =	sld [smem:$0x3F9D];
	s0 =	simm.s32 @p0 $0x1  }
0x13: {  	[smem:$0x3FB8] =	sst s0;
	s0 =	simm.s32 @!p1 $0x0  }
0x14: {  	s2 =	sld [smem:$0x3F9C];
	s0 =	simm.s32 @p1 $0x1  }
0x15: {  	[smem:$0x3FB9] =	sst s0;
	s0 =	simm.s32 @!p2 $0x0  }
0x16: {  	s3 =	sld [smem:$0x3FDB];
	s0 =	simm.s32 @p2 $0x1  }
0x17: {  	s4 =	simm.s32 $0x1BF5;
	[smem:$0x3FBB] =	sst s0  }
0x18: {  	s0 =	sld [smem:$0x3F9E];
	_ =	swait.ge [sflag:s4], $0x0  }
0x19: {  	s7 =	sld [smem:$0x3F9F]  }
0x1a: {  	s8 =	sadd.s32 $0xFFFFE003, lr  }
0x1b: {  	s9 =	sadd.s32 $0xFFFFFEF7, lr;
	s5 =	simm.s32 $0xFFFFFFFF;
	p2 =	slt.u32 s8, $0xFFFFF086  }
0x1c: {  	p1 =	slt.u32 s9, $0xF7A;
	s5 =	simm.s32 @!p2 $0x0  }
0x1d: {  	s5 =	simm.s32 @p1 $0x1;
	p0 =	seq.s32 s7, s2  }
0x1e: {  	s7 =	smul.u32 @!p0 $0xF7A, s2;
	p2 =	seq.s32 @!p0 s5, $0x0  }
0x1f: {  	s9 =	smul.u32 $0xF7A, s1;
	s8 =	simm.s32 @!p0 $0x1BF5;
	p2 =	por !p2, p0  }
0x20: {  	[sflag:s8] =	ssyncset.s32 @!p0 $0xFFFFF086;
	s6 =	sadd.s32 @!p0 s3, s7;
	s7 =	simm.s32 @!p0 $0x108  }
0x21: {  	s3 =	sadd.s32 s3, s9;
	s6 =	sadd.s32 @!p0 $0x88, s6;
	s7 =	simm.s32 @p2 $0x1082  }
0x22: {  	[simem:s7], [sflag:s8] =	dma.local @!p0 [hbm:s6], $0xF7A  }
0x23: {  	s9 =	sor.u32 $0xD0000000, s2;
	s6 =	simm.s32 $0x108;
	_ =	swait.ge @!p0 [sflag:s8], $0x0  }
0x24: {  	s3 =	sadd.s32 $0x88, s3;
	s6 =	simm.s32 @!p1 $0x1082;
	[sflag:s4] =	ssyncset.s32 $0xFFFFF086  }
0x25: {  	[simem:s6], [sflag:s4] =	dma.local [hbm:s3], $0xF7A  }
0x26: {  	[smem:$0x3F9F] =	sst s1;
	(tag) =	ssettag s2;
	_ =	strace s9  }
0x27: {  	s1 =	sld [smem:$0x3FAF]  }
0x28: {  	s2 =	sld [smem:$0x3FB0]  }
0x29: {  	s4 =	sld [smem:$0x3FB2]  }
0x2a: {  	p0 =	seq.s32 s5, $0x0;
	s5 =	sld [smem:$0x3FB3]  }
0x2b: {  	s6 =	sld [smem:$0x3FB4]  }
0x2c: {  	s7 =	sld [smem:$0x3FB5]  }
0x2d: {  	s3 =	simm.s32 $0x108;
	s8 =	sld [smem:$0x3FB6]  }
0x2e: {  	s3 =	simm.s32 @!p0 $0x1082;
	s9 =	sld [smem:$0x3FB7]  }
0x2f: {  	lr =	sadd.s32 s0, s3;
	s0 =	sld [smem:$0x3FAE]  }
0x30: {  	s3 =	sld [smem:$0x3FB1]  }
0x31: {  	[smem:$0x3FBA] =	sst s10  }
0x32: {  	s10 =	sld [smem:$0x3FB8];
	_ =	sdelay $0x3  }
0x33: {  	p0 =	seq.s32 s10, $0x1;
	s10 =	sld [smem:$0x3FBA];
	_ =	sdelay $0x3  }
0x34: {  	[smem:$0x3FBA] =	sst s10  }
0x35: {  	s10 =	sld [smem:$0x3FB9];
	_ =	sdelay $0x3  }
0x36: {  	p1 =	seq.s32 s10, $0x1;
	s10 =	sld [smem:$0x3FBA];
	_ =	sdelay $0x3  }
0x37: {  	[smem:$0x3FBA] =	sst s10  }
0x38: {  	s10 =	sld [smem:$0x3FBB]  }
0x39: {  	_ = 	snop;
	(pc) =	sbr.ind lr, $3  }
0x3a: {  	_ = 	snop  }
0x3b: {  	_ = 	snop  }
0x3c: {  	p2 =	seq.s32 s10, $0x1;
	s10 =	sld [smem:$0x3FBA]  }
0x3d: {  	_ =	shalt  }
0x3e: {  	_ =	shalt  }
0x3f: {  	_ =	shalt  }
0x40: {  	_ =	shalt  }
0x41: {  	_ =	shalt  }
0x42: {  	_ =	shalt  }
0x43: {  	_ =	shalt  }
0x44: {  	_ =	shalt  }
0x45: {  	_ =	shalt  }
0x46: {  	_ =	shalt  }
0x47: {  	_ =	shalt  }
0x48: {  	_ =	shalt  }
0x49: {  	_ =	shalt  }
0x4a: {  	_ =	shalt  }
0x4b: {  	_ =	shalt  }
0x4c: {  	_ =	shalt  }
0x4d: {  	_ =	shalt  }
0x4e: {  	_ =	shalt  }
0x4f: {  	_ =	shalt  }
0x50: {  	_ =	shalt  }
0x51: {  	_ =	shalt  }
0x52: {  	_ =	shalt  }
0x53: {  	_ =	shalt  }
0x54: {  	_ =	shalt  }
0x55: {  	_ =	shalt  }
0x56: {  	_ =	shalt  }
0x57: {  	_ =	shalt  }
0x58: {  	_ =	shalt  }
0x59: {  	_ =	shalt  }
0x5a: {  	_ =	shalt  }
0x5b: {  	_ =	shalt  }
0x5c: {  	_ =	shalt  }
0x5d: {  	_ =	shalt  }
0x5e: {  	_ =	shalt  }
0x5f: {  	_ =	shalt  }
0x60: {  	_ =	shalt  }
0x61: {  	_ =	shalt  }
0x62: {  	_ =	shalt  }
0x63: {  	_ =	shalt  }
0x64: {  	_ =	shalt  }
0x65: {  	_ =	shalt  }
0x66: {  	_ =	shalt  }
0x67: {  	_ =	shalt  }
0x68: {  	_ =	shalt  }
0x69: {  	_ =	shalt  }
0x6a: {  	_ =	shalt  }
0x6b: {  	_ =	shalt  }
0x6c: {  	_ =	shalt  }
0x6d: {  	_ =	shalt  }
0x6e: {  	_ =	shalt  }
0x6f: {  	_ =	shalt  }
0x70: {  	_ =	shalt  }
0x71: {  	_ =	shalt  }
0x72: {  	_ =	shalt  }
0x73: {  	_ =	shalt  }
0x74: {  	_ =	shalt  }
0x75: {  	_ =	shalt  }
0x76: {  	_ =	shalt  }
0x77: {  	_ =	shalt  }
0x78: {  	_ =	shalt  }
0x79: {  	_ =	shalt  }
0x7a: {  	_ =	shalt  }
0x7b: {  	_ =	shalt  }
0x7c: {  	_ =	shalt  }
0x7d: {  	_ =	shalt  }
0x7e: {  	_ =	shalt  }
0x7f: {  	_ =	shalt  }
0x80: {  	_ =	shalt  }
0x81: {  	_ =	shalt  }
0x82: {  	_ =	shalt  }
0x83: {  	_ =	shalt  }
0x84: {  	_ =	shalt  }
0x85: {  	_ =	shalt  }
0x86: {  	_ =	shalt  }
0x87: {  	_ =	shalt  }
.Lfunc_end0:
.L_simem_size_0:
called_computation_lowered:
.L_overlay_start_0:
0x88: {  	s2 =	sld [smem:$0x3FD9]  }
0x89: {  	s3 =	sld [smem:$0x3FFE];
	_ =	sdelay $0x1  }
0x8a: {  	s1 =	srdreg.scid  }
0x8b: {  	s0 =	sand.u32 $0x1, s1  }
0x8c: {  	s18 =	sshll.u32 s0, $0xA;
	s2 =	sadd.s32 s3, s2  }
0x8d: {  	s2 =	sadd.s32 s2, s18  }
0x8e: {  	[smem:$0x3FC6] =	sst s2  }
0x8f: {  	_ = 	snop  }
0x90: {  	s2 =	sld [smem:$0x3FC9]  }
0x91: {  	s19 =	sld [smem:$0x3FC8]  }
0x92: {  	s4 =	sld [smem:$0x3FD0];
	(tm) =	ssettm $0x1  }
0x93: {  	s5 =	sld [smem:$0x3FFB];
	_ =	sdelay $0x3  }
0x94: {  	_ =	strace s5  }
0x95: {  	s5 =	sld [smem:$0x3FFC];
	_ =	sdelay $0x3  }
0x96: {  	_ =	strace s5  }
0x97: {  	s5 =	sld [smem:$0x3FFD];
	_ =	sdelay $0x3  }
0x98: {  	_ =	strace s5  }
0x99: {  	_ =	strace $0x8FFFFFFF  }
0x9a: {  	s20 =	sld [smem:$0x3FDB];
	_ =	sdelay $0x1  }
0x9b: {  	s6 =	simm.s32 $_scs_section_size  }
0x9c: {  	s7 =	simm.s32 $_size__tile_overlayer_lowered;
	s8 =	simm.s32 $_tile_overlayer_lowered  }
0x9d: {  	s23 =	simm.s32 $0x1BFF;
	s22 =	sshll.u32 s8, $0x1;
	s5 =	sadd.s32 s6, s20  }
0x9e: {  	s9 =	simm.s32 $0x0;
	s21 =	sshll.u32 s7, $0x1;
	s7 =	sadd.s32 s22, s5  }
0x9f: {  	[timem:s9], [sflag:s23] =	dma.local [hbm:s7], s21  }
0xa0: {  	_ =	swait.ge [sflag:s23], s21  }
0xa1: {  	s6 =	ssub.s32 $0x0, s21;
	[sflag:s23] =	ssyncset.done $0x0  }
0xa2: {  	[sflag:s23] =	ssyncadd.s32 s6;
	_ =	sdelay $0x1  }
0xa3: {  	s24 =	simm.s32 $0x1B8B  }
0xa4: {  	_ =	swait.ge [sflag:s24], $0x1  }
0xa5: {  	[sflag:s24] =	ssyncset.done $0x0  }
0xa6: {  	s25 =	simm.s32 $0x1B8E;
	[sflag:s24] =	ssyncadd.s32 $0xFFFFFFFF  }
0xa7: {  	s26 =	simm.s32 $execute0_lowered;
	[smem:$0x3FD2] =	sst s25  }
0xa8: {  	s6 =	sshll.u32 s26, $0x1;
	_ =	strace $0x80000046;
	[dreg:$0x1] =	wrdreg $0xFFFFFFFF  }
0xa9: {  	s28 =	simm.s32 $_size_execute0_lowered;
	s5 =	sadd.s32 s5, s6;
	[dreg:$0x0] =	wrdreg $0x0  }
0xaa: {  	s6 =	sshll.u32 s28, $0x1;
	[dreg:$0x2] =	wrdreg s5  }
0xab: {  	[dreg:$0x3] =	wrdreg s6  }
0xac: {  	[dreg:$0x4] =	wrdreg $0xC0  }
0xad: {  	_ =	task [dreg:s9], $0x5FFFF  }
0xae: {  	[dreg:$0x1] =	wrdreg $0xFFFFFFFF  }
0xaf: {  	[dreg:$0x0] =	wrdreg $0x60  }
0xb0: {  	[dreg:$0x2] =	wrdreg s2  }
0xb1: {  	[dreg:$0x3] =	wrdreg s19  }
0xb2: {  	[dreg:$0x4] =	wrdreg s4  }
0xb3: {  	[dreg:$0x5] =	wrdreg $0x9  }
0xb4: {  	_ =	task.clear_ibuf [dreg:s9], $0x6FFFF;
	_ =	strace $0x90000046  }
0xb5: {  	s29 =	simm.s32 $0x9;
	_ =	strace $0x80000048  }
0xb6: {  	_ =	swait.ge [sflag:s29], $0x1  }
0xb7: {  	[sflag:s29] =	ssyncadd.s32 $0xFFFFFFFF  }
0xb8: {  	_ =	strace $0x90000048  }
0xb9: {  	_ =	sfence  }
0xba: {  	s30 =	sld [smem:$0x0];
	_ =	sdelay $0x2  }
0xbb: {  	s31 =	sshll.u32 s1, $0xD;
	s1 =	sshrl.u32 s1, $0x2  }
0xbc: {  	s3 =	sand.u32 $0x4000, s31;
	s1 =	sadd.s32 s1, s30  }
0xbd: {  	s0 =	sor.u32 s3, s0;
	s1 =	sshll.u32 s1, $0x11  }
0xbe: {  	s0 =	sor.u32 s1, s0  }
0xbf: {  	s0 =	sadd.s32 $0x8F2B, s0  }
0xc0: {  	[sflag:s0] =	ssyncadd.remote.s32 $0x1  }
0xc1: {  	_ =	sfence.sel $0xFFFF  }
0xc2: {  	[dreg:$0x0] =	wrdreg $0xFFFFFFFF;
	(pc) =	sbr.abs _section_cstart, $3  }
0xc3: {  	[dreg:$0x1] =	wrdreg $0xFFFFFFFF  }
0xc4: {  	_ =	task.clear_ibuf [dreg:s9], $0x2FFFF;
	_ =	strace $0x9FFFFFFF  }
0xc5: {  	(tm) =	ssettm $0x7FFFFFFF  }
tec
execute0_lowered:
.L_overlay_start_1:
0x0: {  	(tag) =	ssettag $0x1  }
0x1: {  	s1 =	rddreg [dreg:$0x0]  }
0x2: {  	s2 =	rddreg [dreg:$0x1]  }
0x3: {  	s3 =	srdreg.scid;
	s0 =	stileid.u32  }
0x4: {  	s11 =	rddreg [dreg:$0x2];
	s14 =	simm.s32 $0x6400;
	s15 =	simm.s32 $0xA400  }
0x5: {  	s17 =	simm.s32 $0xE400;
	s18 =	simm.s32 $0x180;
	s19 =	simm.s32 $0x12400  }
0x6: {  	s20 =	simm.s32 $0x1;
	s28 =	simm.s32 $0x8;
	s25 =	smul.u32 $0x640000, s0  }
0x7: {  	s29 =	simm.s32 $0x0;
	s9 =	sand.u32 $0x1, s3;
	s12 =	smul.u32 $0xC8000, s0  }
0x8: {  	s21 =	sshll.u32 s0, $0x1;
	s3 =	simm.s32 $0x0;
	s10 =	smul.u32 $0x320000, s9  }
0x9: {  	s4 =	sor.u32 s9, s21;
	s5 =	ssub.s32 $0x2, s9;
	s13 =	smul.u32 $0x64000, s9  }
0xa: {  	[smem:$0x7FF] =	sst s3;
	s21 =	simm.s32 $0x2;
	s6 =	smul.u32 $0x6400, s4  }
0xb: {  	s7 =	sshrl.u32 s5, $0x1;
	s8 =	smul.u32 $0x320000, s4;
	_ =	strace $0x80000047  }
0xc: {  	s22 =	smul.u32 $0x64000, s4;
	s31 =	sadd.s32 s12, s11;
	s12 =	simm.s32 $0x9  }
0xd: {  	s5 =	ssub.s32 s5, s7;
	s10 =	sadd.s32 s10, s25;
	s25 =	simm.s32 $0x6  }
0xe: {  	s23 =	sshrl.u32 s6, $0x3;
	s24 =	sshrl.u32 s8, $0x3;
	s5 =	smax.u32 s5, $0x1  }
0xf: {  	s30 =	sadd.s32 s11, s22;
	s10 =	sshrl.u32 s10, $0x3;
	s22 =	simm.s32 $0x3  }
0x10: {  	s4 =	sadd.s32 s2, s23;
	s26 =	sadd.s32 s11, s24;
	s7 =	sadd.s32 $0x62800, s30  }
0x11: {  	s8 =	sadd.s32 $0x63000, s30;
	s9 =	sadd.s32 $0x63800, s30;
	s10 =	sadd.s32 s10, s11  }
0x12: {  	s11 =	sadd.s32 s13, s31;
	s13 =	simm.s32 $0x80;
	s23 =	simm.s32 $0x4  }
0x13: {  	s24 =	simm.s32 $0x5;
	s6 =	sadd.s32 $0x62000, s26;
	s26 =	simm.s32 $0x7  }
.LBB2_1:
0x14: {  	[tilespmem:s3], [sflag:$0x9] =	stream.linear.gather [hbm4b:s4+s3], $0x6400, $0x38;
	[tilespmem:$0x16400] =	vst v63  }
0x15: {  	_ =	swait.ge [sflag:s12], $0x6400  }
0x16: {  	[sflag:s12] =	ssyncset.done $0x0  }
0x17: {  	[sflag:s12] =	ssyncadd.s32 $0xFFFF9C00  }
0x18: {  	[tilespmem:s14], [sflag:$0x1] =	stream.indirect.gather [hbm4b:s1+s13], $0x80, s3, s13, $0xb8;
	[tilespmem:$0x16400] =	vst v63  }
0x19: {  	_ = 	snop  }
0x1a: {  	[tilespmem:s15], [sflag:$0x2] =	stream.indirect.gather [hbm4b:s1+s13], $0x80, s13, s13, $0xb8;
	[tilespmem:$0x16400] =	vst v63  }
0x1b: {  	s0 =	simm.s32 $0x100  }
0x1c: {  	[tilespmem:s17], [sflag:$0x3] =	stream.indirect.gather [hbm4b:s1+s13], $0x80, s0, s13, $0xb8;
	[tilespmem:$0x16400] =	vst v63  }
0x1d: {  	_ = 	snop  }
0x1e: {  	[tilespmem:s19], [sflag:$0x4] =	stream.indirect.gather [hbm4b:s1+s13], $0x80, s18, s13, $0xb8;
	[tilespmem:$0x16400] =	vst v63  }
0x1f: {  	_ =	swait.ge [sflag:s20], $0x4000  }
0x20: {  	[sflag:s20] =	ssyncset.done $0x0  }
0x21: {  	s2 =	sadd.s32 $0x0, s10;
	[sflag:s20] =	ssyncadd.s32 $0xFFFFC000  }
0x22: {  	[hbm4b:s2+s3] =	stream.linear.scatter [tilespmem:s14], [sflag:$0x5], $0x4000, $0x38;
	[tilespmem:$0x16400] =	vst v63  }
0x23: {  	_ =	swait.ge [sflag:s21], $0x4000  }
0x24: {  	s0 =	sadd.s32 $0x0, s11;
	[sflag:s21] =	ssyncset.done $0x0  }
0x25: {  	s30 =	sadd.s32 $0x800, s0;
	[sflag:s21] =	ssyncadd.s32 $0xFFFFC000  }
0x26: {  	[hbm4b:s30+s3] =	stream.linear.scatter [tilespmem:s15], [sflag:$0x6], $0x4000, $0x38;
	[tilespmem:$0x16400] =	vst v63  }
0x27: {  	_ =	swait.ge [sflag:s22], $0x4000  }
0x28: {  	[sflag:s22] =	ssyncset.done $0x0  }
0x29: {  	s30 =	sadd.s32 $0x1000, s0;
	[sflag:s22] =	ssyncadd.s32 $0xFFFFC000  }
0x2a: {  	[hbm4b:s30+s3] =	stream.linear.scatter [tilespmem:s17], [sflag:$0x7], $0x4000, $0x38;
	[tilespmem:$0x16400] =	vst v63  }
0x2b: {  	_ =	swait.ge [sflag:s23], $0x4000  }
0x2c: {  	[sflag:s23] =	ssyncset.done $0x0  }
0x2d: {  	s2 =	sadd.s32 $0x1800, s0;
	[sflag:s23] =	ssyncadd.s32 $0xFFFFC000  }
0x2e: {  	[hbm4b:s2+s3] =	stream.linear.scatter [tilespmem:s19], [sflag:$0x8], $0x4000, $0x38;
	[tilespmem:$0x16400] =	vst v63  }
0x2f: {  	_ =	swait.ge [sflag:s24], $0x4000  }
0x30: {  	[sflag:s24] =	ssyncset.done $0x0  }
0x31: {  	s16 =	simm.s32 $0x200;
	[sflag:s24] =	ssyncadd.s32 $0xFFFFC000  }
0x32: {  	[tilespmem:s14], [sflag:$0x1] =	stream.indirect.gather [hbm4b:s1+s13], $0x80, s16, s13, $0xb8;
	[tilespmem:$0x16400] =	vst v63  }
0x33: {  	_ =	swait.ge [sflag:s25], $0x4000  }
0x34: {  	[sflag:s25] =	ssyncset.done $0x0  }
0x35: {  	s0 =	simm.s32 $0x280;
	[sflag:s25] =	ssyncadd.s32 $0xFFFFC000  }
0x36: {  	[tilespmem:s15], [sflag:$0x2] =	stream.indirect.gather [hbm4b:s1+s13], $0x80, s0, s13, $0xb8;
	[tilespmem:$0x16400] =	vst v63  }
0x37: {  	_ =	swait.ge [sflag:s26], $0x4000  }
0x38: {  	[sflag:s26] =	ssyncset.done $0x0  }
0x39: {  	s16 =	simm.s32 $0x300;
	[sflag:s26] =	ssyncadd.s32 $0xFFFFC000  }
0x3a: {  	[tilespmem:s17], [sflag:$0x3] =	stream.indirect.gather [hbm4b:s1+s13], $0x80, s16, s13, $0xb8;
	[tilespmem:$0x16400] =	vst v63  }
0x3b: {  	_ =	swait.ge [sflag:s28], $0x4000  }
0x3c: {  	s31 =	simm.s32 $0x2000;
	[sflag:s28] =	ssyncset.done $0x0  }
0x3d: {  	s30 =	simm.s32 $0x380;
	s2 =	simm.s32 $0x580;
	[sflag:s28] =	ssyncadd.s32 $0xFFFFC000  }
.LBB2_2:
0x3e: {  	[tilespmem:s19], [sflag:$0x4] =	stream.indirect.gather [hbm4b:s1+s13], $0x80, s30, s13, $0xb8;
	[tilespmem:$0x16400] =	vst v63  }
0x3f: {  	s0 =	smov.u32 s31;
	s30 =	smov.u32 s2  }
0x40: {  	p0 =	sne.s32 s31, $0x60000;
	s31 =	sadd.s32 $0x2000, s31;
	_ =	swait.ge [sflag:s20], $0x4000  }
0x41: {  	[sflag:s20] =	ssyncset.done $0x0  }
0x42: {  	s16 =	sadd.s32 s0, s10;
	[sflag:s20] =	ssyncadd.s32 $0xFFFFC000  }
0x43: {  	[hbm4b:s16+s3] =	stream.linear.scatter [tilespmem:s14], [sflag:$0x5], $0x4000, $0x38;
	[tilespmem:$0x16400] =	vst v63  }
0x44: {  	_ =	swait.ge [sflag:s21], $0x4000  }
0x45: {  	s0 =	sadd.s32 s0, s11;
	[sflag:s21] =	ssyncset.done $0x0  }
0x46: {  	s16 =	sadd.s32 $0x800, s0;
	[sflag:s21] =	ssyncadd.s32 $0xFFFFC000  }
0x47: {  	[hbm4b:s16+s3] =	stream.linear.scatter [tilespmem:s15], [sflag:$0x6], $0x4000, $0x38;
	[tilespmem:$0x16400] =	vst v63  }
0x48: {  	_ =	swait.ge [sflag:s22], $0x4000  }
0x49: {  	[sflag:s22] =	ssyncset.done $0x0  }
0x4a: {  	s16 =	sadd.s32 $0x1000, s0;
	[sflag:s22] =	ssyncadd.s32 $0xFFFFC000  }
0x4b: {  	[hbm4b:s16+s3] =	stream.linear.scatter [tilespmem:s17], [sflag:$0x7], $0x4000, $0x38;
	[tilespmem:$0x16400] =	vst v63  }
0x4c: {  	_ =	swait.ge [sflag:s23], $0x4000  }
0x4d: {  	[sflag:s23] =	ssyncset.done $0x0  }
0x4e: {  	s0 =	sadd.s32 $0x1800, s0;
	[sflag:s23] =	ssyncadd.s32 $0xFFFFC000  }
0x4f: {  	[hbm4b:s0+s3] =	stream.linear.scatter [tilespmem:s19], [sflag:$0x8], $0x4000, $0x38;
	[tilespmem:$0x16400] =	vst v63  }
0x50: {  	_ =	swait.ge [sflag:s24], $0x4000  }
0x51: {  	[sflag:s24] =	ssyncset.done $0x0  }
0x52: {  	s0 =	sadd.s32 $0xFFFFFE80, s2;
	[sflag:s24] =	ssyncadd.s32 $0xFFFFC000  }
0x53: {  	[tilespmem:s14], [sflag:$0x1] =	stream.indirect.gather [hbm4b:s1+s13], $0x80, s0, s13, $0xb8;
	[tilespmem:$0x16400] =	vst v63  }
0x54: {  	_ =	swait.ge [sflag:s25], $0x4000  }
0x55: {  	[sflag:s25] =	ssyncset.done $0x0  }
0x56: {  	s0 =	sadd.s32 $0xFFFFFF00, s2;
	[sflag:s25] =	ssyncadd.s32 $0xFFFFC000  }
0x57: {  	[tilespmem:s15], [sflag:$0x2] =	stream.indirect.gather [hbm4b:s1+s13], $0x80, s0, s13, $0xb8;
	[tilespmem:$0x16400] =	vst v63  }
0x58: {  	_ =	swait.ge [sflag:s26], $0x4000  }
0x59: {  	[sflag:s26] =	ssyncset.done $0x0  }
.Ltmp0:
0x5a: {  	s0 =	sadd.s32 $0xFFFFFF80, s2;
	[sflag:s26] =	ssyncadd.s32 $0xFFFFC000;
	(pc) =	sbr.rel @p0 .LBB2_2-.Ltmp0, $4  }
0x5b: {  	[tilespmem:s17], [sflag:$0x3] =	stream.indirect.gather [hbm4b:s1+s13], $0x80, s0, s13, $0xb8;
	[tilespmem:$0x16400] =	vst v63  }
0x5c: {  	_ =	swait.ge [sflag:s28], $0x4000  }
0x5d: {  	[sflag:s28] =	ssyncset.done $0x0  }
0x5e: {  	s2 =	sadd.s32 $0x200, s2;
	[sflag:s28] =	ssyncadd.s32 $0xFFFFC000  }
0x5f: {  	[tilespmem:s19], [sflag:$0x4] =	stream.indirect.gather [hbm4b:s1+s13], $0x80, s30, s13, $0xb8;
	[tilespmem:$0x16400] =	vst v63  }
0x60: {  	_ =	swait.ge [sflag:s20], $0x4000  }
0x61: {  	[sflag:s20] =	ssyncset.done $0x0  }
0x62: {  	[sflag:s20] =	ssyncadd.s32 $0xFFFFC000  }
0x63: {  	[hbm4b:s6+s3] =	stream.linear.scatter [tilespmem:s14], [sflag:$0x5], $0x4000, $0x38;
	[tilespmem:$0x16400] =	vst v63  }
0x64: {  	_ =	swait.ge [sflag:s21], $0x4000  }
0x65: {  	[sflag:s21] =	ssyncset.done $0x0  }
0x66: {  	[sflag:s21] =	ssyncadd.s32 $0xFFFFC000  }
0x67: {  	[hbm4b:s7+s3] =	stream.linear.scatter [tilespmem:s15], [sflag:$0x6], $0x4000, $0x38;
	[tilespmem:$0x16400] =	vst v63  }
0x68: {  	_ =	swait.ge [sflag:s22], $0x4000  }
0x69: {  	[sflag:s22] =	ssyncset.done $0x0  }
0x6a: {  	[sflag:s22] =	ssyncadd.s32 $0xFFFFC000  }
0x6b: {  	[hbm4b:s8+s3] =	stream.linear.scatter [tilespmem:s17], [sflag:$0x7], $0x4000, $0x38;
	[tilespmem:$0x16400] =	vst v63  }
0x6c: {  	_ =	swait.ge [sflag:s23], $0x4000  }
0x6d: {  	[sflag:s23] =	ssyncset.done $0x0  }
0x6e: {  	[sflag:s23] =	ssyncadd.s32 $0xFFFFC000  }
0x6f: {  	[hbm4b:s9+s3] =	stream.linear.scatter [tilespmem:s19], [sflag:$0x8], $0x4000, $0x38;
	[tilespmem:$0x16400] =	vst v63  }
0x70: {  	_ =	swait.ge [sflag:s24], $0x4000  }
0x71: {  	[sflag:s24] =	ssyncset.done $0x0  }
0x72: {  	[sflag:s24] =	ssyncadd.s32 $0xFFFFC000  }
0x73: {  	_ =	swait.ge [sflag:s25], $0x4000  }
0x74: {  	[sflag:s25] =	ssyncset.done $0x0  }
0x75: {  	s29 =	sadd.s32 $0x1, s29;
	[sflag:s25] =	ssyncadd.s32 $0xFFFFC000  }
0x76: {  	p0 =	sne.s32 s29, s5;
	_ =	swait.ge [sflag:s26], $0x4000  }
.Ltmp1:
0x77: {  	[sflag:s26] =	ssyncset.done $0x0;
	(pc) =	sbr.rel @p0 .LBB2_1-.Ltmp1, $4  }
0x78: {  	[sflag:s26] =	ssyncadd.s32 $0xFFFFC000  }
0x79: {  	_ =	swait.ge [sflag:s28], $0x4000  }
0x7a: {  	[sflag:s28] =	ssyncset.done $0x0  }
0x7b: {  	[sflag:s28] =	ssyncadd.s32 $0xFFFFC000  }
0x7c: {  	_ =	sfence.sel $0x180000  }
0x7d: {  	[bflag:$0x0] =	sbarrier.arrive $0xFFFF  }
0x7e: {  	_ =	strace $0x90000047  }
0x7f: {  	s0 =	stileid.u32;
	[bflag:$0x2] =	sbarrier.arrive $0xFFFF  }
0x80: {  	p0 =	sne.s32 s0, $0x0;
	s0 =	rddreg [dreg:$0x3]  }
0x81: {  	s0 =	sadd.s32 @!p0 $0x100000, s0  }
0x82: {  	[sflag:s0] =	ssyncadd.tile.s32 @!p0 $0x1;
	_ =	shalt  }
.Lfunc_end2:
_tile_overlayer_lowered:
.L_overlay_start_2:
0x83: {  	(tag) =	ssettag $0x2  }
0x84: {  	s0 =	rddreg [dreg:$0x0];
	s2 =	stileid.u32  }
0x85: {  	s1 =	rddreg [dreg:$0x1];
	p0 =	sne.s32 s2, $0x0  }
0x86: {  	s3 =	rddreg [dreg:$0x2];
	[bflag:$0x3] =	sbarrier.arrive $0xFFFF;
	s2 =	simm.s32 @!p0 $0x1C09  }
0x87: {  	[timem:s3], [sflag:s2] =	dma.local @!p0 [hbm:s0], s1  }
0x88: {  	s0 =	simm.s32 @!p0 $0x9  }
0x89: {  	_ =	swait.ge @!p0 [sflag:s0], s1  }
0x8a: {  	s1 =	ssub.s32 @!p0 $0x0, s1;
	[sflag:s0] =	ssyncset.done @!p0 $0x0  }
0x8b: {  	[sflag:s0] =	ssyncadd.s32 @!p0 s1  }
0x8c: {  	[bflag:$0x3] =	sbarrier.arrive $0xFFFF  }
0x8d: {  	_ =	shalt  }

</sc_bundles>
